<compile_context>
chip_gen: v7x
topology: tpu7x:2x2x1
jax: 0.10.2.dev20260603
libtpu: 0.0.44.dev20260713+nightly
codegen_flags: <defaults>
</compile_context>

<pallas_src>
import functools

import jax
import jax.numpy as jnp
from jax import lax
from jax.experimental import pallas as pl
from jax.experimental.pallas import tpu as pltpu
from jax.experimental.pallas import tpu_sc as plsc

MAX_D = 32


def _build_sc_kernel(n):
    info = plsc.get_sparse_core_info()
    nc, ns, lanes = info.num_cores, info.num_subcores, info.num_lanes
    nw = nc * ns
    assert n % nw == 0
    rows_per_w = n // nw
    wlen = n + rows_per_w
    assert wlen % lanes == 0 and rows_per_w % 8 == 0
    n_fill = wlen // lanes
    band_chunks = (2 * MAX_D + 1 + lanes - 1) // lanes + 1
    n_groups = rows_per_w // 8

    mesh = plsc.VectorSubcoreMesh(core_axis_name="c", subcore_axis_name="s")

    @functools.partial(
        pl.kernel,
        mesh=mesh,
        out_type=jax.ShapeDtypeStruct((1, 1, n, n), jnp.float32),
        scratch_types=[
            pltpu.VMEM((2 * MAX_D + 1, 1), jnp.float32),
            pltpu.VMEM((8, wlen), jnp.float32),
            pltpu.SemaphoreType.DMA,
        ],
        compiler_params=pltpu.CompilerParams(
            use_tc_tiling_on_sc=False, needs_layout_passes=False
        ),
    )
    def k(tbl_hbm, out_hbm, tbl_v, wrev, sem):
        wid = lax.axis_index("s") * nc + lax.axis_index("c")
        r0 = wid * rows_per_w
        base_t = n - rows_per_w - r0

        pltpu.sync_copy(tbl_hbm, tbl_v)

        lane = lax.iota(jnp.int32, lanes)
        zero = jnp.zeros((lanes,), jnp.int32)
        cvec = plsc.load_gather(
            tbl_v, [jnp.full((lanes,), MAX_D, jnp.int32), zero]
        )

        def fill_body(kk, carry):
            off = pl.multiple_of(kk * lanes, lanes)
            for j in range(8):
                wrev[j, pl.ds(off, lanes)] = cvec
            return carry

        lax.fori_loop(0, n_fill, fill_body, None, unroll=4)

        t0 = n - 1 - MAX_D
        for c in range(band_chunks):
            tvec = t0 + c * lanes + lane
            m = jnp.minimum(jnp.abs(tvec - (n - 1)), MAX_D)
            vals = plsc.load_gather(tbl_v, [m, zero])
            for j in range(8):
                kvec = (t0 - base_t - (7 - j)) + c * lanes + lane
                plsc.store_scatter(
                    wrev, [jnp.full((lanes,), j, jnp.int32), kvec], vals
                )

        copies = []
        for a in range(n_groups):
            k0 = rows_per_w - 8 - 8 * a
            g0 = r0 + 8 * a
            copies.append(
                pltpu.async_copy(
                    wrev.at[:, pl.ds(k0, n)],
                    out_hbm.at[0, 0, pl.ds(pl.multiple_of(g0, 8), 8)],
                    sem,
                )
            )
        for cp in copies:
            cp.wait()

    return k


@jax.jit
def kernel(aa_embedding, pos_embedding):
    n = aa_embedding.shape[-1]
    return _build_sc_kernel(n)(pos_embedding)

# --- scband reference (transcript-rebuilt; emitter-appended) ---
"""Pipeline reference for scband-relativate-position-embedding-module-44770739093835 (READ-ONLY COPY).

The authoritative reference and input builder live on the scoring server;
editing this copy changes nothing except your own understanding.
"""

import jax, jax.numpy as jnp
import numpy as np

MAX_REL_DIST = 32

def setup_inputs(seed: int = 0) -> dict:
    key = jax.random.key(seed)
    k1, k2 = jax.random.split(key)
    aa_embedding = jax.random.normal(k1, (1, 4096), dtype=jnp.float32)
    # nn.Embedding(max_rel_dist*2+1, 1) weight, N(0,1) init like torch default
    pos_embedding = jax.random.normal(k2, (MAX_REL_DIST * 2 + 1, 1), dtype=jnp.float32)
    return {"aa_embedding": aa_embedding, "pos_embedding": pos_embedding}

def reference(aa_embedding, pos_embedding):
    N = aa_embedding.shape[-1]
    seq_index = jnp.arange(N)
    # rearrange 'i -> () i ()' minus '} j -> () () j' => (1, N, N)
    seq_rel_dist = seq_index[None, :, None] - seq_index[None, None, :]
    seq_rel_dist = jnp.clip(jnp.abs(seq_rel_dist), 0, MAX_REL_DIST)
    rel_pos_emb = jnp.take(pos_embedding, seq_rel_dist, axis=0)  # (1, N, N, 1)
    rel_pos_emb = rel_pos_emb[..., 0]  # squeeze(-1) -> (1, N, N)
    return rel_pos_emb[None, ...]  # unsqueeze(0) -> (1, 1, N, N)

if __name__ == "__main__":
    import jax
    _d = setup_inputs()
    print(jax.jit(kernel)(*tuple(_d.values())))

</pallas_src>

<mosaic_0001>
#map = affine_map<(d0, d1) -> (0, 0)>
#map1 = affine_map<(d0, d1) -> (0, 0, 0, 0)>
module attributes {stable_mosaic.version = 14 : i64} {
  func.func @k(%arg0: i32, %arg1: i32, %arg2: memref<65x1xf32, #tpu.memory_space<hbm>>, %arg3: memref<1x1x4096x4096xf32, #tpu.memory_space<hbm>>, %arg4: memref<65x1xf32, #tpu.memory_space<vmem>>, %arg5: memref<8x4224xf32, #tpu.memory_space<vmem>>, %arg6: memref<!tpu.dma_semaphore, #tpu.memory_space<semaphore_mem>>) attributes {dimension_semantics = [#tpu.dimension_semantics<core_parallel>, #tpu.dimension_semantics<subcore_parallel>], iteration_bounds = array<i64: 2, 16>, scalar_prefetch = 0 : i64, scratch_operands = 3 : i64, tpu.core_type = #tpu.core_type<sc_vector_subcore>, window_params = [{transform_indices = #map}, {transform_indices = #map1}]} {
    %mul3A = arith.constant 2 : i32
    %mul3A_0 = arith.muli %arg1, %mul3A : i32
    %add3A = arith.addi %mul3A_0, %arg0 : i32
    %mul3A_1 = arith.constant 128 : i32
    %mul3A_2 = arith.muli %add3A, %mul3A_1 : i32
    %sub3A = arith.constant 3968 : i32
    %sub3A_3 = arith.subi %sub3A, %mul3A_2 : i32
    "tpu.region"() ({
      %run_scoped3A = tpu.sem_alloc : memref<!tpu.dma_semaphore, #tpu.memory_space<semaphore_mem>>
      tpu.enqueue_dma source(%arg2 : memref<65x1xf32, #tpu.memory_space<hbm>>) target(%arg4 : memref<65x1xf32, #tpu.memory_space<vmem>>) target_semaphore(%run_scoped3A : memref<!tpu.dma_semaphore, #tpu.memory_space<semaphore_mem>>)
      tpu.wait_dma2 semaphore(%run_scoped3A : memref<!tpu.dma_semaphore, #tpu.memory_space<semaphore_mem>>) src(%arg2 : memref<65x1xf32, #tpu.memory_space<hbm>>) dst(%arg4 : memref<65x1xf32, #tpu.memory_space<vmem>>)
      tpu.yield
    }) : () -> ()
    %iota3A = tpu.iota {dimensions = array<i32: 0>} : vector<16xi32>
    %broadcast_in_dim3A = arith.constant 0 : i32
    %broadcast_in_dim3A_4 = vector.broadcast %broadcast_in_dim3A : i32 to vector<16xi32>
    %broadcast_in_dim3A_5 = arith.constant 32 : i32
    %broadcast_in_dim3A_6 = vector.broadcast %broadcast_in_dim3A_5 : i32 to vector<16xi32>
    %gather3A = tpu.vector_load_idx %arg4[%broadcast_in_dim3A_6, %broadcast_in_dim3A_4] : memref<65x1xf32, #tpu.memory_space<vmem>>[vector<16xi32>, vector<16xi32>], vector<16xf32>,
    %scan3A = arith.constant 0 : i32
    %scan3A_7 = arith.constant 264 : i32
    %scan3A_8 = arith.addi %scan3A, %scan3A_7 : i32
    %scan3A_9 = arith.constant 4 : i32
    scf.for %scan3A_1048 = %scan3A to %scan3A_8 step %scan3A_9  : i32 {
      %mul3A_1049 = arith.constant 16 : i32
      %mul3A_1050 = arith.muli %scan3A_1048, %mul3A_1049 : i32
      %multiple_of3A_1051 = tpu.assume_multiple %mul3A_1050, 16 : i32
      %swap3A = arith.constant 0 : i32
      %swap3A_1052 = arith.index_cast %swap3A : i32 to index
      %swap3A_1053 = arith.index_cast %multiple_of3A_1051 : i32 to index
      %swap3A_1054 = tpu.vector_load %arg5[%swap3A_1052, %swap3A_1053] {strides = array<i32>} : memref<8x4224xf32, #tpu.memory_space<vmem>>, vector<16xf32>,
      tpu.vector_store %arg5[%swap3A_1052, %swap3A_1053], %gather3A {strides = array<i32>} : memref<8x4224xf32, #tpu.memory_space<vmem>>, vector<16xf32>,
      %swap3A_1055 = arith.constant 1 : i32
      %swap3A_1056 = arith.index_cast %swap3A_1055 : i32 to index
      %swap3A_1057 = arith.index_cast %multiple_of3A_1051 : i32 to index
      %swap3A_1058 = tpu.vector_load %arg5[%swap3A_1056, %swap3A_1057] {strides = array<i32>} : memref<8x4224xf32, #tpu.memory_space<vmem>>, vector<16xf32>,
      tpu.vector_store %arg5[%swap3A_1056, %swap3A_1057], %gather3A {strides = array<i32>} : memref<8x4224xf32, #tpu.memory_space<vmem>>, vector<16xf32>,
      %swap3A_1059 = arith.constant 2 : i32
      %swap3A_1060 = arith.index_cast %swap3A_1059 : i32 to index
      %swap3A_1061 = arith.index_cast %multiple_of3A_1051 : i32 to index
      %swap3A_1062 = tpu.vector_load %arg5[%swap3A_1060, %swap3A_1061] {strides = array<i32>} : memref<8x4224xf32, #tpu.memory_space<vmem>>, vector<16xf32>,
      tpu.vector_store %arg5[%swap3A_1060, %swap3A_1061], %gather3A {strides = array<i32>} : memref<8x4224xf32, #tpu.memory_space<vmem>>, vector<16xf32>,
      %swap3A_1063 = arith.constant 3 : i32
      %swap3A_1064 = arith.index_cast %swap3A_1063 : i32 to index
      %swap3A_1065 = arith.index_cast %multiple_of3A_1051 : i32 to index
      %swap3A_1066 = tpu.vector_load %arg5[%swap3A_1064, %swap3A_1065] {strides = array<i32>} : memref<8x4224xf32, #tpu.memory_space<vmem>>, vector<16xf32>,
      tpu.vector_store %arg5[%swap3A_1064, %swap3A_1065], %gather3A {strides = array<i32>} : memref<8x4224xf32, #tpu.memory_space<vmem>>, vector<16xf32>,
      %swap3A_1067 = arith.constant 4 : i32
      %swap3A_1068 = arith.index_cast %swap3A_1067 : i32 to index
      %swap3A_1069 = arith.index_cast %multiple_of3A_1051 : i32 to index
      %swap3A_1070 = tpu.vector_load %arg5[%swap3A_1068, %swap3A_1069] {strides = array<i32>} : memref<8x4224xf32, #tpu.memory_space<vmem>>, vector<16xf32>,
      tpu.vector_store %arg5[%swap3A_1068, %swap3A_1069], %gather3A {strides = array<i32>} : memref<8x4224xf32, #tpu.memory_space<vmem>>, vector<16xf32>,
      %swap3A_1071 = arith.constant 5 : i32
      %swap3A_1072 = arith.index_cast %swap3A_1071 : i32 to index
      %swap3A_1073 = arith.index_cast %multiple_of3A_1051 : i32 to index
      %swap3A_1074 = tpu.vector_load %arg5[%swap3A_1072, %swap3A_1073] {strides = array<i32>} : memref<8x4224xf32, #tpu.memory_space<vmem>>, vector<16xf32>,
      tpu.vector_store %arg5[%swap3A_1072, %swap3A_1073], %gather3A {strides = array<i32>} : memref<8x4224xf32, #tpu.memory_space<vmem>>, vector<16xf32>,
      %swap3A_1075 = arith.constant 6 : i32
      %swap3A_1076 = arith.index_cast %swap3A_1075 : i32 to index
      %swap3A_1077 = arith.index_cast %multiple_of3A_1051 : i32 to index
      %swap3A_1078 = tpu.vector_load %arg5[%swap3A_1076, %swap3A_1077] {strides = array<i32>} : memref<8x4224xf32, #tpu.memory_space<vmem>>, vector<16xf32>,
      tpu.vector_store %arg5[%swap3A_1076, %swap3A_1077], %gather3A {strides = array<i32>} : memref<8x4224xf32, #tpu.memory_space<vmem>>, vector<16xf32>,
      %swap3A_1079 = arith.constant 7 : i32
      %swap3A_1080 = arith.index_cast %swap3A_1079 : i32 to index
      %swap3A_1081 = arith.index_cast %multiple_of3A_1051 : i32 to index
      %swap3A_1082 = tpu.vector_load %arg5[%swap3A_1080, %swap3A_1081] {strides = array<i32>} : memref<8x4224xf32, #tpu.memory_space<vmem>>, vector<16xf32>,
      tpu.vector_store %arg5[%swap3A_1080, %swap3A_1081], %gather3A {strides = array<i32>} : memref<8x4224xf32, #tpu.memory_space<vmem>>, vector<16xf32>,
      %scan3A_1083 = arith.constant 1 : i32
      %scan3A_1084 = arith.addi %scan3A_1048, %scan3A_1083 : i32
      %mul3A_1085 = arith.constant 16 : i32
      %mul3A_1086 = arith.muli %scan3A_1084, %mul3A_1085 : i32
      %multiple_of3A_1087 = tpu.assume_multiple %mul3A_1086, 16 : i32
      %swap3A_1088 = arith.constant 0 : i32
      %swap3A_1089 = arith.index_cast %swap3A_1088 : i32 to index
      %swap3A_1090 = arith.index_cast %multiple_of3A_1087 : i32 to index
      %swap3A_1091 = tpu.vector_load %arg5[%swap3A_1089, %swap3A_1090] {strides = array<i32>} : memref<8x4224xf32, #tpu.memory_space<vmem>>, vector<16xf32>,
      tpu.vector_store %arg5[%swap3A_1089, %swap3A_1090], %gather3A {strides = array<i32>} : memref<8x4224xf32, #tpu.memory_space<vmem>>, vector<16xf32>,
      %swap3A_1092 = arith.constant 1 : i32
      %swap3A_1093 = arith.index_cast %swap3A_1092 : i32 to index
      %swap3A_1094 = arith.index_cast %multiple_of3A_1087 : i32 to index
      %swap3A_1095 = tpu.vector_load %arg5[%swap3A_1093, %swap3A_1094] {strides = array<i32>} : memref<8x4224xf32, #tpu.memory_space<vmem>>, vector<16xf32>,
      tpu.vector_store %arg5[%swap3A_1093, %swap3A_1094], %gather3A {strides = array<i32>} : memref<8x4224xf32, #tpu.memory_space<vmem>>, vector<16xf32>,
      %swap3A_1096 = arith.constant 2 : i32
      %swap3A_1097 = arith.index_cast %swap3A_1096 : i32 to index
      %swap3A_1098 = arith.index_cast %multiple_of3A_1087 : i32 to index
      %swap3A_1099 = tpu.vector_load %arg5[%swap3A_1097, %swap3A_1098] {strides = array<i32>} : memref<8x4224xf32, #tpu.memory_space<vmem>>, vector<16xf32>,
      tpu.vector_store %arg5[%swap3A_1097, %swap3A_1098], %gather3A {strides = array<i32>} : memref<8x4224xf32, #tpu.memory_space<vmem>>, vector<16xf32>,
      %swap3A_1100 = arith.constant 3 : i32
      %swap3A_1101 = arith.index_cast %swap3A_1100 : i32 to index
      %swap3A_1102 = arith.index_cast %multiple_of3A_1087 : i32 to index
      %swap3A_1103 = tpu.vector_load %arg5[%swap3A_1101, %swap3A_1102] {strides = array<i32>} : memref<8x4224xf32, #tpu.memory_space<vmem>>, vector<16xf32>,
      tpu.vector_store %arg5[%swap3A_1101, %swap3A_1102], %gather3A {strides = array<i32>} : memref<8x4224xf32, #tpu.memory_space<vmem>>, vector<16xf32>,
      %swap3A_1104 = arith.constant 4 : i32
      %swap3A_1105 = arith.index_cast %swap3A_1104 : i32 to index
      %swap3A_1106 = arith.index_cast %multiple_of3A_1087 : i32 to index
      %swap3A_1107 = tpu.vector_load %arg5[%swap3A_1105, %swap3A_1106] {strides = array<i32>} : memref<8x4224xf32, #tpu.memory_space<vmem>>, vector<16xf32>,
      tpu.vector_store %arg5[%swap3A_1105, %swap3A_1106], %gather3A {strides = array<i32>} : memref<8x4224xf32, #tpu.memory_space<vmem>>, vector<16xf32>,
      %swap3A_1108 = arith.constant 5 : i32
      %swap3A_1109 = arith.index_cast %swap3A_1108 : i32 to index
      %swap3A_1110 = arith.index_cast %multiple_of3A_1087 : i32 to index
      %swap3A_1111 = tpu.vector_load %arg5[%swap3A_1109, %swap3A_1110] {strides = array<i32>} : memref<8x4224xf32, #tpu.memory_space<vmem>>, vector<16xf32>,
      tpu.vector_store %arg5[%swap3A_1109, %swap3A_1110], %gather3A {strides = array<i32>} : memref<8x4224xf32, #tpu.memory_space<vmem>>, vector<16xf32>,
      %swap3A_1112 = arith.constant 6 : i32
      %swap3A_1113 = arith.index_cast %swap3A_1112 : i32 to index
      %swap3A_1114 = arith.index_cast %multiple_of3A_1087 : i32 to index
      %swap3A_1115 = tpu.vector_load %arg5[%swap3A_1113, %swap3A_1114] {strides = array<i32>} : memref<8x4224xf32, #tpu.memory_space<vmem>>, vector<16xf32>,
      tpu.vector_store %arg5[%swap3A_1113, %swap3A_1114], %gather3A {strides = array<i32>} : memref<8x4224xf32, #tpu.memory_space<vmem>>, vector<16xf32>,
      %swap3A_1116 = arith.constant 7 : i32
      %swap3A_1117 = arith.index_cast %swap3A_1116 : i32 to index
      %swap3A_1118 = arith.index_cast %multiple_of3A_1087 : i32 to index
      %swap3A_1119 = tpu.vector_load %arg5[%swap3A_1117, %swap3A_1118] {strides = array<i32>} : memref<8x4224xf32, #tpu.memory_space<vmem>>, vector<16xf32>,
      tpu.vector_store %arg5[%swap3A_1117, %swap3A_1118], %gather3A {strides = array<i32>} : memref<8x4224xf32, #tpu.memory_space<vmem>>, vector<16xf32>,
      %scan3A_1120 = arith.constant 2 : i32
      %scan3A_1121 = arith.addi %scan3A_1048, %scan3A_1120 : i32
      %mul3A_1122 = arith.constant 16 : i32
      %mul3A_1123 = arith.muli %scan3A_1121, %mul3A_1122 : i32
      %multiple_of3A_1124 = tpu.assume_multiple %mul3A_1123, 16 : i32
      %swap3A_1125 = arith.constant 0 : i32
      %swap3A_1126 = arith.index_cast %swap3A_1125 : i32 to index
      %swap3A_1127 = arith.index_cast %multiple_of3A_1124 : i32 to index
      %swap3A_1128 = tpu.vector_load %arg5[%swap3A_1126, %swap3A_1127] {strides = array<i32>} : memref<8x4224xf32, #tpu.memory_space<vmem>>, vector<16xf32>,
      tpu.vector_store %arg5[%swap3A_1126, %swap3A_1127], %gather3A {strides = array<i32>} : memref<8x4224xf32, #tpu.memory_space<vmem>>, vector<16xf32>,
      %swap3A_1129 = arith.constant 1 : i32
      %swap3A_1130 = arith.index_cast %swap3A_1129 : i32 to index
      %swap3A_1131 = arith.index_cast %multiple_of3A_1124 : i32 to index
      %swap3A_1132 = tpu.vector_load %arg5[%swap3A_1130, %swap3A_1131] {strides = array<i32>} : memref<8x4224xf32, #tpu.memory_space<vmem>>, vector<16xf32>,
      tpu.vector_store %arg5[%swap3A_1130, %swap3A_1131], %gather3A {strides = array<i32>} : memref<8x4224xf32, #tpu.memory_space<vmem>>, vector<16xf32>,
      %swap3A_1133 = arith.constant 2 : i32
      %swap3A_1134 = arith.index_cast %swap3A_1133 : i32 to index
      %swap3A_1135 = arith.index_cast %multiple_of3A_1124 : i32 to index
      %swap3A_1136 = tpu.vector_load %arg5[%swap3A_1134, %swap3A_1135] {strides = array<i32>} : memref<8x4224xf32, #tpu.memory_space<vmem>>, vector<16xf32>,
      tpu.vector_store %arg5[%swap3A_1134, %swap3A_1135], %gather3A {strides = array<i32>} : memref<8x4224xf32, #tpu.memory_space<vmem>>, vector<16xf32>,
      %swap3A_1137 = arith.constant 3 : i32
      %swap3A_1138 = arith.index_cast %swap3A_1137 : i32 to index
      %swap3A_1139 = arith.index_cast %multiple_of3A_1124 : i32 to index
      %swap3A_1140 = tpu.vector_load %arg5[%swap3A_1138, %swap3A_1139] {strides = array<i32>} : memref<8x4224xf32, #tpu.memory_space<vmem>>, vector<16xf32>,
      tpu.vector_store %arg5[%swap3A_1138, %swap3A_1139], %gather3A {strides = array<i32>} : memref<8x4224xf32, #tpu.memory_space<vmem>>, vector<16xf32>,
      %swap3A_1141 = arith.constant 4 : i32
      %swap3A_1142 = arith.index_cast %swap3A_1141 : i32 to index
      %swap3A_1143 = arith.index_cast %multiple_of3A_1124 : i32 to index
      %swap3A_1144 = tpu.vector_load %arg5[%swap3A_1142, %swap3A_1143] {strides = array<i32>} : memref<8x4224xf32, #tpu.memory_space<vmem>>, vector<16xf32>,
      tpu.vector_store %arg5[%swap3A_1142, %swap3A_1143], %gather3A {strides = array<i32>} : memref<8x4224xf32, #tpu.memory_space<vmem>>, vector<16xf32>,
      %swap3A_1145 = arith.constant 5 : i32
      %swap3A_1146 = arith.index_cast %swap3A_1145 : i32 to index
      %swap3A_1147 = arith.index_cast %multiple_of3A_1124 : i32 to index
      %swap3A_1148 = tpu.vector_load %arg5[%swap3A_1146, %swap3A_1147] {strides = array<i32>} : memref<8x4224xf32, #tpu.memory_space<vmem>>, vector<16xf32>,
      tpu.vector_store %arg5[%swap3A_1146, %swap3A_1147], %gather3A {strides = array<i32>} : memref<8x4224xf32, #tpu.memory_space<vmem>>, vector<16xf32>,
      %swap3A_1149 = arith.constant 6 : i32
      %swap3A_1150 = arith.index_cast %swap3A_1149 : i32 to index
      %swap3A_1151 = arith.index_cast %multiple_of3A_1124 : i32 to index
      %swap3A_1152 = tpu.vector_load %arg5[%swap3A_1150, %swap3A_1151] {strides = array<i32>} : memref<8x4224xf32, #tpu.memory_space<vmem>>, vector<16xf32>,
      tpu.vector_store %arg5[%swap3A_1150, %swap3A_1151], %gather3A {strides = array<i32>} : memref<8x4224xf32, #tpu.memory_space<vmem>>, vector<16xf32>,
      %swap3A_1153 = arith.constant 7 : i32
      %swap3A_1154 = arith.index_cast %swap3A_1153 : i32 to index
      %swap3A_1155 = arith.index_cast %multiple_of3A_1124 : i32 to index
      %swap3A_1156 = tpu.vector_load %arg5[%swap3A_1154, %swap3A_1155] {strides = array<i32>} : memref<8x4224xf32, #tpu.memory_space<vmem>>, vector<16xf32>,
      tpu.vector_store %arg5[%swap3A_1154, %swap3A_1155], %gather3A {strides = array<i32>} : memref<8x4224xf32, #tpu.memory_space<vmem>>, vector<16xf32>,
      %scan3A_1157 = arith.constant 3 : i32
      %scan3A_1158 = arith.addi %scan3A_1048, %scan3A_1157 : i32
      %mul3A_1159 = arith.constant 16 : i32
      %mul3A_1160 = arith.muli %scan3A_1158, %mul3A_1159 : i32
      %multiple_of3A_1161 = tpu.assume_multiple %mul3A_1160, 16 : i32
      %swap3A_1162 = arith.constant 0 : i32
      %swap3A_1163 = arith.index_cast %swap3A_1162 : i32 to index
      %swap3A_1164 = arith.index_cast %multiple_of3A_1161 : i32 to index
      %swap3A_1165 = tpu.vector_load %arg5[%swap3A_1163, %swap3A_1164] {strides = array<i32>} : memref<8x4224xf32, #tpu.memory_space<vmem>>, vector<16xf32>,
      tpu.vector_store %arg5[%swap3A_1163, %swap3A_1164], %gather3A {strides = array<i32>} : memref<8x4224xf32, #tpu.memory_space<vmem>>, vector<16xf32>,
      %swap3A_1166 = arith.constant 1 : i32
      %swap3A_1167 = arith.index_cast %swap3A_1166 : i32 to index
      %swap3A_1168 = arith.index_cast %multiple_of3A_1161 : i32 to index
      %swap3A_1169 = tpu.vector_load %arg5[%swap3A_1167, %swap3A_1168] {strides = array<i32>} : memref<8x4224xf32, #tpu.memory_space<vmem>>, vector<16xf32>,
      tpu.vector_store %arg5[%swap3A_1167, %swap3A_1168], %gather3A {strides = array<i32>} : memref<8x4224xf32, #tpu.memory_space<vmem>>, vector<16xf32>,
      %swap3A_1170 = arith.constant 2 : i32
      %swap3A_1171 = arith.index_cast %swap3A_1170 : i32 to index
      %swap3A_1172 = arith.index_cast %multiple_of3A_1161 : i32 to index
      %swap3A_1173 = tpu.vector_load %arg5[%swap3A_1171, %swap3A_1172] {strides = array<i32>} : memref<8x4224xf32, #tpu.memory_space<vmem>>, vector<16xf32>,
      tpu.vector_store %arg5[%swap3A_1171, %swap3A_1172], %gather3A {strides = array<i32>} : memref<8x4224xf32, #tpu.memory_space<vmem>>, vector<16xf32>,
      %swap3A_1174 = arith.constant 3 : i32
      %swap3A_1175 = arith.index_cast %swap3A_1174 : i32 to index
      %swap3A_1176 = arith.index_cast %multiple_of3A_1161 : i32 to index
      %swap3A_1177 = tpu.vector_load %arg5[%swap3A_1175, %swap3A_1176] {strides = array<i32>} : memref<8x4224xf32, #tpu.memory_space<vmem>>, vector<16xf32>,
      tpu.vector_store %arg5[%swap3A_1175, %swap3A_1176], %gather3A {strides = array<i32>} : memref<8x4224xf32, #tpu.memory_space<vmem>>, vector<16xf32>,
      %swap3A_1178 = arith.constant 4 : i32
      %swap3A_1179 = arith.index_cast %swap3A_1178 : i32 to index
      %swap3A_1180 = arith.index_cast %multiple_of3A_1161 : i32 to index
      %swap3A_1181 = tpu.vector_load %arg5[%swap3A_1179, %swap3A_1180] {strides = array<i32>} : memref<8x4224xf32, #tpu.memory_space<vmem>>, vector<16xf32>,
      tpu.vector_store %arg5[%swap3A_1179, %swap3A_1180], %gather3A {strides = array<i32>} : memref<8x4224xf32, #tpu.memory_space<vmem>>, vector<16xf32>,
      %swap3A_1182 = arith.constant 5 : i32
      %swap3A_1183 = arith.index_cast %swap3A_1182 : i32 to index
      %swap3A_1184 = arith.index_cast %multiple_of3A_1161 : i32 to index
      %swap3A_1185 = tpu.vector_load %arg5[%swap3A_1183, %swap3A_1184] {strides = array<i32>} : memref<8x4224xf32, #tpu.memory_space<vmem>>, vector<16xf32>,
      tpu.vector_store %arg5[%swap3A_1183, %swap3A_1184], %gather3A {strides = array<i32>} : memref<8x4224xf32, #tpu.memory_space<vmem>>, vector<16xf32>,
      %swap3A_1186 = arith.constant 6 : i32
      %swap3A_1187 = arith.index_cast %swap3A_1186 : i32 to index
      %swap3A_1188 = arith.index_cast %multiple_of3A_1161 : i32 to index
      %swap3A_1189 = tpu.vector_load %arg5[%swap3A_1187, %swap3A_1188] {strides = array<i32>} : memref<8x4224xf32, #tpu.memory_space<vmem>>, vector<16xf32>,
      tpu.vector_store %arg5[%swap3A_1187, %swap3A_1188], %gather3A {strides = array<i32>} : memref<8x4224xf32, #tpu.memory_space<vmem>>, vector<16xf32>,
      %swap3A_1190 = arith.constant 7 : i32
      %swap3A_1191 = arith.index_cast %swap3A_1190 : i32 to index
      %swap3A_1192 = arith.index_cast %multiple_of3A_1161 : i32 to index
      %swap3A_1193 = tpu.vector_load %arg5[%swap3A_1191, %swap3A_1192] {strides = array<i32>} : memref<8x4224xf32, #tpu.memory_space<vmem>>, vector<16xf32>,
      tpu.vector_store %arg5[%swap3A_1191, %swap3A_1192], %gather3A {strides = array<i32>} : memref<8x4224xf32, #tpu.memory_space<vmem>>, vector<16xf32>,
    }
    %scan3A_10 = arith.constant 264 : i32
    %add3A_11 = arith.constant 4063 : i32
    %add3A_12 = vector.broadcast %add3A_11 : i32 to vector<16xi32>
    %add3A_13 = arith.addi %add3A_12, %iota3A : vector<16xi32>
    %sub3A_14 = arith.constant 4095 : i32
    %sub3A_15 = vector.broadcast %sub3A_14 : i32 to vector<16xi32>
    %sub3A_16 = arith.subi %add3A_13, %sub3A_15 : vector<16xi32>
    %abs3A = math.absi %sub3A_16 : vector<16xi32>
    %min3A = arith.constant 32 : i32
    %min3A_17 = vector.broadcast %min3A : i32 to vector<16xi32>
    %min3A_18 = arith.minsi %abs3A, %min3A_17 : vector<16xi32>
    %gather3A_19 = tpu.vector_load_idx %arg4[%min3A_18, %broadcast_in_dim3A_4] : memref<65x1xf32, #tpu.memory_space<vmem>>[vector<16xi32>, vector<16xi32>], vector<16xf32>,
    %sub3A_20 = arith.constant 4063 : i32
    %sub3A_21 = arith.subi %sub3A_20, %sub3A_3 : i32
    %sub3A_22 = arith.constant 7 : i32
    %sub3A_23 = arith.subi %sub3A_21, %sub3A_22 : i32
    %add3A_24 = arith.constant 0 : i32
    %add3A_25 = arith.addi %sub3A_23, %add3A_24 : i32
    %add3A_26 = vector.broadcast %add3A_25 : i32 to vector<16xi32>
    %add3A_27 = arith.addi %add3A_26, %iota3A : vector<16xi32>
    %broadcast_in_dim3A_28 = arith.constant 0 : i32
    %broadcast_in_dim3A_29 = vector.broadcast %broadcast_in_dim3A_28 : i32 to vector<16xi32>
    tpu.vector_store_idx %arg5[%broadcast_in_dim3A_29, %add3A_27], %gather3A_19 : memref<8x4224xf32, #tpu.memory_space<vmem>>[vector<16xi32>, vector<16xi32>], vector<16xf32>,
    %sub3A_30 = arith.constant 4063 : i32
    %sub3A_31 = arith.subi %sub3A_30, %sub3A_3 : i32
    %sub3A_32 = arith.constant 6 : i32
    %sub3A_33 = arith.subi %sub3A_31, %sub3A_32 : i32
    %add3A_34 = arith.constant 0 : i32
    %add3A_35 = arith.addi %sub3A_33, %add3A_34 : i32
    %add3A_36 = vector.broadcast %add3A_35 : i32 to vector<16xi32>
    %add3A_37 = arith.addi %add3A_36, %iota3A : vector<16xi32>
    %broadcast_in_dim3A_38 = arith.constant 1 : i32
    %broadcast_in_dim3A_39 = vector.broadcast %broadcast_in_dim3A_38 : i32 to vector<16xi32>
    tpu.vector_store_idx %arg5[%broadcast_in_dim3A_39, %add3A_37], %gather3A_19 : memref<8x4224xf32, #tpu.memory_space<vmem>>[vector<16xi32>, vector<16xi32>], vector<16xf32>,
    %sub3A_40 = arith.constant 4063 : i32
    %sub3A_41 = arith.subi %sub3A_40, %sub3A_3 : i32
    %sub3A_42 = arith.constant 5 : i32
    %sub3A_43 = arith.subi %sub3A_41, %sub3A_42 : i32
    %add3A_44 = arith.constant 0 : i32
    %add3A_45 = arith.addi %sub3A_43, %add3A_44 : i32
    %add3A_46 = vector.broadcast %add3A_45 : i32 to vector<16xi32>
    %add3A_47 = arith.addi %add3A_46, %iota3A : vector<16xi32>
    %broadcast_in_dim3A_48 = arith.constant 2 : i32
    %broadcast_in_dim3A_49 = vector.broadcast %broadcast_in_dim3A_48 : i32 to vector<16xi32>
    tpu.vector_store_idx %arg5[%broadcast_in_dim3A_49, %add3A_47], %gather3A_19 : memref<8x4224xf32, #tpu.memory_space<vmem>>[vector<16xi32>, vector<16xi32>], vector<16xf32>,
    %sub3A_50 = arith.constant 4063 : i32
    %sub3A_51 = arith.subi %sub3A_50, %sub3A_3 : i32
    %sub3A_52 = arith.constant 4 : i32
    %sub3A_53 = arith.subi %sub3A_51, %sub3A_52 : i32
    %add3A_54 = arith.constant 0 : i32
    %add3A_55 = arith.addi %sub3A_53, %add3A_54 : i32
    %add3A_56 = vector.broadcast %add3A_55 : i32 to vector<16xi32>
    %add3A_57 = arith.addi %add3A_56, %iota3A : vector<16xi32>
    %broadcast_in_dim3A_58 = arith.constant 3 : i32
    %broadcast_in_dim3A_59 = vector.broadcast %broadcast_in_dim3A_58 : i32 to vector<16xi32>
    tpu.vector_store_idx %arg5[%broadcast_in_dim3A_59, %add3A_57], %gather3A_19 : memref<8x4224xf32, #tpu.memory_space<vmem>>[vector<16xi32>, vector<16xi32>], vector<16xf32>,
    %sub3A_60 = arith.constant 4063 : i32
    %sub3A_61 = arith.subi %sub3A_60, %sub3A_3 : i32
    %sub3A_62 = arith.constant 3 : i32
    %sub3A_63 = arith.subi %sub3A_61, %sub3A_62 : i32
    %add3A_64 = arith.constant 0 : i32
    %add3A_65 = arith.addi %sub3A_63, %add3A_64 : i32
    %add3A_66 = vector.broadcast %add3A_65 : i32 to vector<16xi32>
    %add3A_67 = arith.addi %add3A_66, %iota3A : vector<16xi32>
    %broadcast_in_dim3A_68 = arith.constant 4 : i32
    %broadcast_in_dim3A_69 = vector.broadcast %broadcast_in_dim3A_68 : i32 to vector<16xi32>
    tpu.vector_store_idx %arg5[%broadcast_in_dim3A_69, %add3A_67], %gather3A_19 : memref<8x4224xf32, #tpu.memory_space<vmem>>[vector<16xi32>, vector<16xi32>], vector<16xf32>,
    %sub3A_70 = arith.constant 4063 : i32
    %sub3A_71 = arith.subi %sub3A_70, %sub3A_3 : i32
    %sub3A_72 = arith.constant 2 : i32
    %sub3A_73 = arith.subi %sub3A_71, %sub3A_72 : i32
    %add3A_74 = arith.constant 0 : i32
    %add3A_75 = arith.addi %sub3A_73, %add3A_74 : i32
    %add3A_76 = vector.broadcast %add3A_75 : i32 to vector<16xi32>
    %add3A_77 = arith.addi %add3A_76, %iota3A : vector<16xi32>
    %broadcast_in_dim3A_78 = arith.constant 5 : i32
    %broadcast_in_dim3A_79 = vector.broadcast %broadcast_in_dim3A_78 : i32 to vector<16xi32>
    tpu.vector_store_idx %arg5[%broadcast_in_dim3A_79, %add3A_77], %gather3A_19 : memref<8x4224xf32, #tpu.memory_space<vmem>>[vector<16xi32>, vector<16xi32>], vector<16xf32>,
    %sub3A_80 = arith.constant 4063 : i32
    %sub3A_81 = arith.subi %sub3A_80, %sub3A_3 : i32
    %sub3A_82 = arith.constant 1 : i32
    %sub3A_83 = arith.subi %sub3A_81, %sub3A_82 : i32
    %add3A_84 = arith.constant 0 : i32
    %add3A_85 = arith.addi %sub3A_83, %add3A_84 : i32
    %add3A_86 = vector.broadcast %add3A_85 : i32 to vector<16xi32>
    %add3A_87 = arith.addi %add3A_86, %iota3A : vector<16xi32>
    %broadcast_in_dim3A_88 = arith.constant 6 : i32
    %broadcast_in_dim3A_89 = vector.broadcast %broadcast_in_dim3A_88 : i32 to vector<16xi32>
    tpu.vector_store_idx %arg5[%broadcast_in_dim3A_89, %add3A_87], %gather3A_19 : memref<8x4224xf32, #tpu.memory_space<vmem>>[vector<16xi32>, vector<16xi32>], vector<16xf32>,
    %sub3A_90 = arith.constant 4063 : i32
    %sub3A_91 = arith.subi %sub3A_90, %sub3A_3 : i32
    %sub3A_92 = arith.constant 0 : i32
    %sub3A_93 = arith.subi %sub3A_91, %sub3A_92 : i32
    %add3A_94 = arith.constant 0 : i32
    %add3A_95 = arith.addi %sub3A_93, %add3A_94 : i32
    %add3A_96 = vector.broadcast %add3A_95 : i32 to vector<16xi32>
    %add3A_97 = arith.addi %add3A_96, %iota3A : vector<16xi32>
    %broadcast_in_dim3A_98 = arith.constant 7 : i32
    %broadcast_in_dim3A_99 = vector.broadcast %broadcast_in_dim3A_98 : i32 to vector<16xi32>
    tpu.vector_store_idx %arg5[%broadcast_in_dim3A_99, %add3A_97], %gather3A_19 : memref<8x4224xf32, #tpu.memory_space<vmem>>[vector<16xi32>, vector<16xi32>], vector<16xf32>,
    %add3A_100 = arith.constant 4079 : i32
    %add3A_101 = vector.broadcast %add3A_100 : i32 to vector<16xi32>
    %add3A_102 = arith.addi %add3A_101, %iota3A : vector<16xi32>
    %sub3A_103 = arith.constant 4095 : i32
    %sub3A_104 = vector.broadcast %sub3A_103 : i32 to vector<16xi32>
    %sub3A_105 = arith.subi %add3A_102, %sub3A_104 : vector<16xi32>
    %abs3A_106 = math.absi %sub3A_105 : vector<16xi32>
    %min3A_107 = arith.constant 32 : i32
    %min3A_108 = vector.broadcast %min3A_107 : i32 to vector<16xi32>
    %min3A_109 = arith.minsi %abs3A_106, %min3A_108 : vector<16xi32>
    %gather3A_110 = tpu.vector_load_idx %arg4[%min3A_109, %broadcast_in_dim3A_4] : memref<65x1xf32, #tpu.memory_space<vmem>>[vector<16xi32>, vector<16xi32>], vector<16xf32>,
    %sub3A_111 = arith.constant 4063 : i32
    %sub3A_112 = arith.subi %sub3A_111, %sub3A_3 : i32
    %sub3A_113 = arith.constant 7 : i32
    %sub3A_114 = arith.subi %sub3A_112, %sub3A_113 : i32
    %add3A_115 = arith.constant 16 : i32
    %add3A_116 = arith.addi %sub3A_114, %add3A_115 : i32
    %add3A_117 = vector.broadcast %add3A_116 : i32 to vector<16xi32>
    %add3A_118 = arith.addi %add3A_117, %iota3A : vector<16xi32>
    %broadcast_in_dim3A_119 = arith.constant 0 : i32
    %broadcast_in_dim3A_120 = vector.broadcast %broadcast_in_dim3A_119 : i32 to vector<16xi32>
    tpu.vector_store_idx %arg5[%broadcast_in_dim3A_120, %add3A_118], %gather3A_110 : memref<8x4224xf32, #tpu.memory_space<vmem>>[vector<16xi32>, vector<16xi32>], vector<16xf32>,
    %sub3A_121 = arith.constant 4063 : i32
    %sub3A_122 = arith.subi %sub3A_121, %sub3A_3 : i32
    %sub3A_123 = arith.constant 6 : i32
    %sub3A_124 = arith.subi %sub3A_122, %sub3A_123 : i32
    %add3A_125 = arith.constant 16 : i32
    %add3A_126 = arith.addi %sub3A_124, %add3A_125 : i32
    %add3A_127 = vector.broadcast %add3A_126 : i32 to vector<16xi32>
    %add3A_128 = arith.addi %add3A_127, %iota3A : vector<16xi32>
    %broadcast_in_dim3A_129 = arith.constant 1 : i32
    %broadcast_in_dim3A_130 = vector.broadcast %broadcast_in_dim3A_129 : i32 to vector<16xi32>
    tpu.vector_store_idx %arg5[%broadcast_in_dim3A_130, %add3A_128], %gather3A_110 : memref<8x4224xf32, #tpu.memory_space<vmem>>[vector<16xi32>, vector<16xi32>], vector<16xf32>,
    %sub3A_131 = arith.constant 4063 : i32
    %sub3A_132 = arith.subi %sub3A_131, %sub3A_3 : i32
    %sub3A_133 = arith.constant 5 : i32
    %sub3A_134 = arith.subi %sub3A_132, %sub3A_133 : i32
    %add3A_135 = arith.constant 16 : i32
    %add3A_136 = arith.addi %sub3A_134, %add3A_135 : i32
    %add3A_137 = vector.broadcast %add3A_136 : i32 to vector<16xi32>
    %add3A_138 = arith.addi %add3A_137, %iota3A : vector<16xi32>
    %broadcast_in_dim3A_139 = arith.constant 2 : i32
    %broadcast_in_dim3A_140 = vector.broadcast %broadcast_in_dim3A_139 : i32 to vector<16xi32>
    tpu.vector_store_idx %arg5[%broadcast_in_dim3A_140, %add3A_138], %gather3A_110 : memref<8x4224xf32, #tpu.memory_space<vmem>>[vector<16xi32>, vector<16xi32>], vector<16xf32>,
    %sub3A_141 = arith.constant 4063 : i32
    %sub3A_142 = arith.subi %sub3A_141, %sub3A_3 : i32
    %sub3A_143 = arith.constant 4 : i32
    %sub3A_144 = arith.subi %sub3A_142, %sub3A_143 : i32
    %add3A_145 = arith.constant 16 : i32
    %add3A_146 = arith.addi %sub3A_144, %add3A_145 : i32
    %add3A_147 = vector.broadcast %add3A_146 : i32 to vector<16xi32>
    %add3A_148 = arith.addi %add3A_147, %iota3A : vector<16xi32>
    %broadcast_in_dim3A_149 = arith.constant 3 : i32
    %broadcast_in_dim3A_150 = vector.broadcast %broadcast_in_dim3A_149 : i32 to vector<16xi32>
    tpu.vector_store_idx %arg5[%broadcast_in_dim3A_150, %add3A_148], %gather3A_110 : memref<8x4224xf32, #tpu.memory_space<vmem>>[vector<16xi32>, vector<16xi32>], vector<16xf32>,
    %sub3A_151 = arith.constant 4063 : i32
    %sub3A_152 = arith.subi %sub3A_151, %sub3A_3 : i32
    %sub3A_153 = arith.constant 3 : i32
    %sub3A_154 = arith.subi %sub3A_152, %sub3A_153 : i32
    %add3A_155 = arith.constant 16 : i32
    %add3A_156 = arith.addi %sub3A_154, %add3A_155 : i32
    %add3A_157 = vector.broadcast %add3A_156 : i32 to vector<16xi32>
    %add3A_158 = arith.addi %add3A_157, %iota3A : vector<16xi32>
    %broadcast_in_dim3A_159 = arith.constant 4 : i32
    %broadcast_in_dim3A_160 = vector.broadcast %broadcast_in_dim3A_159 : i32 to vector<16xi32>
    tpu.vector_store_idx %arg5[%broadcast_in_dim3A_160, %add3A_158], %gather3A_110 : memref<8x4224xf32, #tpu.memory_space<vmem>>[vector<16xi32>, vector<16xi32>], vector<16xf32>,
    %sub3A_161 = arith.constant 4063 : i32
    %sub3A_162 = arith.subi %sub3A_161, %sub3A_3 : i32
    %sub3A_163 = arith.constant 2 : i32
    %sub3A_164 = arith.subi %sub3A_162, %sub3A_163 : i32
    %add3A_165 = arith.constant 16 : i32
    %add3A_166 = arith.addi %sub3A_164, %add3A_165 : i32
    %add3A_167 = vector.broadcast %add3A_166 : i32 to vector<16xi32>
    %add3A_168 = arith.addi %add3A_167, %iota3A : vector<16xi32>
    %broadcast_in_dim3A_169 = arith.constant 5 : i32
    %broadcast_in_dim3A_170 = vector.broadcast %broadcast_in_dim3A_169 : i32 to vector<16xi32>
    tpu.vector_store_idx %arg5[%broadcast_in_dim3A_170, %add3A_168], %gather3A_110 : memref<8x4224xf32, #tpu.memory_space<vmem>>[vector<16xi32>, vector<16xi32>], vector<16xf32>,
    %sub3A_171 = arith.constant 4063 : i32
    %sub3A_172 = arith.subi %sub3A_171, %sub3A_3 : i32
    %sub3A_173 = arith.constant 1 : i32
    %sub3A_174 = arith.subi %sub3A_172, %sub3A_173 : i32
    %add3A_175 = arith.constant 16 : i32
    %add3A_176 = arith.addi %sub3A_174, %add3A_175 : i32
    %add3A_177 = vector.broadcast %add3A_176 : i32 to vector<16xi32>
    %add3A_178 = arith.addi %add3A_177, %iota3A : vector<16xi32>
    %broadcast_in_dim3A_179 = arith.constant 6 : i32
    %broadcast_in_dim3A_180 = vector.broadcast %broadcast_in_dim3A_179 : i32 to vector<16xi32>
    tpu.vector_store_idx %arg5[%broadcast_in_dim3A_180, %add3A_178], %gather3A_110 : memref<8x4224xf32, #tpu.memory_space<vmem>>[vector<16xi32>, vector<16xi32>], vector<16xf32>,
    %sub3A_181 = arith.constant 4063 : i32
    %sub3A_182 = arith.subi %sub3A_181, %sub3A_3 : i32
    %sub3A_183 = arith.constant 0 : i32
    %sub3A_184 = arith.subi %sub3A_182, %sub3A_183 : i32
    %add3A_185 = arith.constant 16 : i32
    %add3A_186 = arith.addi %sub3A_184, %add3A_185 : i32
    %add3A_187 = vector.broadcast %add3A_186 : i32 to vector<16xi32>
    %add3A_188 = arith.addi %add3A_187, %iota3A : vector<16xi32>
    %broadcast_in_dim3A_189 = arith.constant 7 : i32
    %broadcast_in_dim3A_190 = vector.broadcast %broadcast_in_dim3A_189 : i32 to vector<16xi32>
    tpu.vector_store_idx %arg5[%broadcast_in_dim3A_190, %add3A_188], %gather3A_110 : memref<8x4224xf32, #tpu.memory_space<vmem>>[vector<16xi32>, vector<16xi32>], vector<16xf32>,
    %add3A_191 = arith.constant 4095 : i32
    %add3A_192 = vector.broadcast %add3A_191 : i32 to vector<16xi32>
    %add3A_193 = arith.addi %add3A_192, %iota3A : vector<16xi32>
    %sub3A_194 = arith.constant 4095 : i32
    %sub3A_195 = vector.broadcast %sub3A_194 : i32 to vector<16xi32>
    %sub3A_196 = arith.subi %add3A_193, %sub3A_195 : vector<16xi32>
    %abs3A_197 = math.absi %sub3A_196 : vector<16xi32>
    %min3A_198 = arith.constant 32 : i32
    %min3A_199 = vector.broadcast %min3A_198 : i32 to vector<16xi32>
    %min3A_200 = arith.minsi %abs3A_197, %min3A_199 : vector<16xi32>
    %gather3A_201 = tpu.vector_load_idx %arg4[%min3A_200, %broadcast_in_dim3A_4] : memref<65x1xf32, #tpu.memory_space<vmem>>[vector<16xi32>, vector<16xi32>], vector<16xf32>,
    %sub3A_202 = arith.constant 4063 : i32
    %sub3A_203 = arith.subi %sub3A_202, %sub3A_3 : i32
    %sub3A_204 = arith.constant 7 : i32
    %sub3A_205 = arith.subi %sub3A_203, %sub3A_204 : i32
    %add3A_206 = arith.constant 32 : i32
    %add3A_207 = arith.addi %sub3A_205, %add3A_206 : i32
    %add3A_208 = vector.broadcast %add3A_207 : i32 to vector<16xi32>
    %add3A_209 = arith.addi %add3A_208, %iota3A : vector<16xi32>
    %broadcast_in_dim3A_210 = arith.constant 0 : i32
    %broadcast_in_dim3A_211 = vector.broadcast %broadcast_in_dim3A_210 : i32 to vector<16xi32>
    tpu.vector_store_idx %arg5[%broadcast_in_dim3A_211, %add3A_209], %gather3A_201 : memref<8x4224xf32, #tpu.memory_space<vmem>>[vector<16xi32>, vector<16xi32>], vector<16xf32>,
    %sub3A_212 = arith.constant 4063 : i32
    %sub3A_213 = arith.subi %sub3A_212, %sub3A_3 : i32
    %sub3A_214 = arith.constant 6 : i32
    %sub3A_215 = arith.subi %sub3A_213, %sub3A_214 : i32
    %add3A_216 = arith.constant 32 : i32
    %add3A_217 = arith.addi %sub3A_215, %add3A_216 : i32
    %add3A_218 = vector.broadcast %add3A_217 : i32 to vector<16xi32>
    %add3A_219 = arith.addi %add3A_218, %iota3A : vector<16xi32>
    %broadcast_in_dim3A_220 = arith.constant 1 : i32
    %broadcast_in_dim3A_221 = vector.broadcast %broadcast_in_dim3A_220 : i32 to vector<16xi32>
    tpu.vector_store_idx %arg5[%broadcast_in_dim3A_221, %add3A_219], %gather3A_201 : memref<8x4224xf32, #tpu.memory_space<vmem>>[vector<16xi32>, vector<16xi32>], vector<16xf32>,
    %sub3A_222 = arith.constant 4063 : i32
    %sub3A_223 = arith.subi %sub3A_222, %sub3A_3 : i32
    %sub3A_224 = arith.constant 5 : i32
    %sub3A_225 = arith.subi %sub3A_223, %sub3A_224 : i32
    %add3A_226 = arith.constant 32 : i32
    %add3A_227 = arith.addi %sub3A_225, %add3A_226 : i32
    %add3A_228 = vector.broadcast %add3A_227 : i32 to vector<16xi32>
    %add3A_229 = arith.addi %add3A_228, %iota3A : vector<16xi32>
    %broadcast_in_dim3A_230 = arith.constant 2 : i32
    %broadcast_in_dim3A_231 = vector.broadcast %broadcast_in_dim3A_230 : i32 to vector<16xi32>
    tpu.vector_store_idx %arg5[%broadcast_in_dim3A_231, %add3A_229], %gather3A_201 : memref<8x4224xf32, #tpu.memory_space<vmem>>[vector<16xi32>, vector<16xi32>], vector<16xf32>,
    %sub3A_232 = arith.constant 4063 : i32
    %sub3A_233 = arith.subi %sub3A_232, %sub3A_3 : i32
    %sub3A_234 = arith.constant 4 : i32
    %sub3A_235 = arith.subi %sub3A_233, %sub3A_234 : i32
    %add3A_236 = arith.constant 32 : i32
    %add3A_237 = arith.addi %sub3A_235, %add3A_236 : i32
    %add3A_238 = vector.broadcast %add3A_237 : i32 to vector<16xi32>
    %add3A_239 = arith.addi %add3A_238, %iota3A : vector<16xi32>
    %broadcast_in_dim3A_240 = arith.constant 3 : i32
    %broadcast_in_dim3A_241 = vector.broadcast %broadcast_in_dim3A_240 : i32 to vector<16xi32>
    tpu.vector_store_idx %arg5[%broadcast_in_dim3A_241, %add3A_239], %gather3A_201 : memref<8x4224xf32, #tpu.memory_space<vmem>>[vector<16xi32>, vector<16xi32>], vector<16xf32>,
    %sub3A_242 = arith.constant 4063 : i32
    %sub3A_243 = arith.subi %sub3A_242, %sub3A_3 : i32
    %sub3A_244 = arith.constant 3 : i32
    %sub3A_245 = arith.subi %sub3A_243, %sub3A_244 : i32
    %add3A_246 = arith.constant 32 : i32
    %add3A_247 = arith.addi %sub3A_245, %add3A_246 : i32
    %add3A_248 = vector.broadcast %add3A_247 : i32 to vector<16xi32>
    %add3A_249 = arith.addi %add3A_248, %iota3A : vector<16xi32>
    %broadcast_in_dim3A_250 = arith.constant 4 : i32
    %broadcast_in_dim3A_251 = vector.broadcast %broadcast_in_dim3A_250 : i32 to vector<16xi32>
    tpu.vector_store_idx %arg5[%broadcast_in_dim3A_251, %add3A_249], %gather3A_201 : memref<8x4224xf32, #tpu.memory_space<vmem>>[vector<16xi32>, vector<16xi32>], vector<16xf32>,
    %sub3A_252 = arith.constant 4063 : i32
    %sub3A_253 = arith.subi %sub3A_252, %sub3A_3 : i32
    %sub3A_254 = arith.constant 2 : i32
    %sub3A_255 = arith.subi %sub3A_253, %sub3A_254 : i32
    %add3A_256 = arith.constant 32 : i32
    %add3A_257 = arith.addi %sub3A_255, %add3A_256 : i32
    %add3A_258 = vector.broadcast %add3A_257 : i32 to vector<16xi32>
    %add3A_259 = arith.addi %add3A_258, %iota3A : vector<16xi32>
    %broadcast_in_dim3A_260 = arith.constant 5 : i32
    %broadcast_in_dim3A_261 = vector.broadcast %broadcast_in_dim3A_260 : i32 to vector<16xi32>
    tpu.vector_store_idx %arg5[%broadcast_in_dim3A_261, %add3A_259], %gather3A_201 : memref<8x4224xf32, #tpu.memory_space<vmem>>[vector<16xi32>, vector<16xi32>], vector<16xf32>,
    %sub3A_262 = arith.constant 4063 : i32
    %sub3A_263 = arith.subi %sub3A_262, %sub3A_3 : i32
    %sub3A_264 = arith.constant 1 : i32
    %sub3A_265 = arith.subi %sub3A_263, %sub3A_264 : i32
    %add3A_266 = arith.constant 32 : i32
    %add3A_267 = arith.addi %sub3A_265, %add3A_266 : i32
    %add3A_268 = vector.broadcast %add3A_267 : i32 to vector<16xi32>
    %add3A_269 = arith.addi %add3A_268, %iota3A : vector<16xi32>
    %broadcast_in_dim3A_270 = arith.constant 6 : i32
    %broadcast_in_dim3A_271 = vector.broadcast %broadcast_in_dim3A_270 : i32 to vector<16xi32>
    tpu.vector_store_idx %arg5[%broadcast_in_dim3A_271, %add3A_269], %gather3A_201 : memref<8x4224xf32, #tpu.memory_space<vmem>>[vector<16xi32>, vector<16xi32>], vector<16xf32>,
    %sub3A_272 = arith.constant 4063 : i32
    %sub3A_273 = arith.subi %sub3A_272, %sub3A_3 : i32
    %sub3A_274 = arith.constant 0 : i32
    %sub3A_275 = arith.subi %sub3A_273, %sub3A_274 : i32
    %add3A_276 = arith.constant 32 : i32
    %add3A_277 = arith.addi %sub3A_275, %add3A_276 : i32
    %add3A_278 = vector.broadcast %add3A_277 : i32 to vector<16xi32>
    %add3A_279 = arith.addi %add3A_278, %iota3A : vector<16xi32>
    %broadcast_in_dim3A_280 = arith.constant 7 : i32
    %broadcast_in_dim3A_281 = vector.broadcast %broadcast_in_dim3A_280 : i32 to vector<16xi32>
    tpu.vector_store_idx %arg5[%broadcast_in_dim3A_281, %add3A_279], %gather3A_201 : memref<8x4224xf32, #tpu.memory_space<vmem>>[vector<16xi32>, vector<16xi32>], vector<16xf32>,
    %add3A_282 = arith.constant 4111 : i32
    %add3A_283 = vector.broadcast %add3A_282 : i32 to vector<16xi32>
    %add3A_284 = arith.addi %add3A_283, %iota3A : vector<16xi32>
    %sub3A_285 = arith.constant 4095 : i32
    %sub3A_286 = vector.broadcast %sub3A_285 : i32 to vector<16xi32>
    %sub3A_287 = arith.subi %add3A_284, %sub3A_286 : vector<16xi32>
    %abs3A_288 = math.absi %sub3A_287 : vector<16xi32>
    %min3A_289 = arith.constant 32 : i32
    %min3A_290 = vector.broadcast %min3A_289 : i32 to vector<16xi32>
    %min3A_291 = arith.minsi %abs3A_288, %min3A_290 : vector<16xi32>
    %gather3A_292 = tpu.vector_load_idx %arg4[%min3A_291, %broadcast_in_dim3A_4] : memref<65x1xf32, #tpu.memory_space<vmem>>[vector<16xi32>, vector<16xi32>], vector<16xf32>,
    %sub3A_293 = arith.constant 4063 : i32
    %sub3A_294 = arith.subi %sub3A_293, %sub3A_3 : i32
    %sub3A_295 = arith.constant 7 : i32
    %sub3A_296 = arith.subi %sub3A_294, %sub3A_295 : i32
    %add3A_297 = arith.constant 48 : i32
    %add3A_298 = arith.addi %sub3A_296, %add3A_297 : i32
    %add3A_299 = vector.broadcast %add3A_298 : i32 to vector<16xi32>
    %add3A_300 = arith.addi %add3A_299, %iota3A : vector<16xi32>
    %broadcast_in_dim3A_301 = arith.constant 0 : i32
    %broadcast_in_dim3A_302 = vector.broadcast %broadcast_in_dim3A_301 : i32 to vector<16xi32>
    tpu.vector_store_idx %arg5[%broadcast_in_dim3A_302, %add3A_300], %gather3A_292 : memref<8x4224xf32, #tpu.memory_space<vmem>>[vector<16xi32>, vector<16xi32>], vector<16xf32>,
    %sub3A_303 = arith.constant 4063 : i32
    %sub3A_304 = arith.subi %sub3A_303, %sub3A_3 : i32
    %sub3A_305 = arith.constant 6 : i32
    %sub3A_306 = arith.subi %sub3A_304, %sub3A_305 : i32
    %add3A_307 = arith.constant 48 : i32
    %add3A_308 = arith.addi %sub3A_306, %add3A_307 : i32
    %add3A_309 = vector.broadcast %add3A_308 : i32 to vector<16xi32>
    %add3A_310 = arith.addi %add3A_309, %iota3A : vector<16xi32>
    %broadcast_in_dim3A_311 = arith.constant 1 : i32
    %broadcast_in_dim3A_312 = vector.broadcast %broadcast_in_dim3A_311 : i32 to vector<16xi32>
    tpu.vector_store_idx %arg5[%broadcast_in_dim3A_312, %add3A_310], %gather3A_292 : memref<8x4224xf32, #tpu.memory_space<vmem>>[vector<16xi32>, vector<16xi32>], vector<16xf32>,
    %sub3A_313 = arith.constant 4063 : i32
    %sub3A_314 = arith.subi %sub3A_313, %sub3A_3 : i32
    %sub3A_315 = arith.constant 5 : i32
    %sub3A_316 = arith.subi %sub3A_314, %sub3A_315 : i32
    %add3A_317 = arith.constant 48 : i32
    %add3A_318 = arith.addi %sub3A_316, %add3A_317 : i32
    %add3A_319 = vector.broadcast %add3A_318 : i32 to vector<16xi32>
    %add3A_320 = arith.addi %add3A_319, %iota3A : vector<16xi32>
    %broadcast_in_dim3A_321 = arith.constant 2 : i32
    %broadcast_in_dim3A_322 = vector.broadcast %broadcast_in_dim3A_321 : i32 to vector<16xi32>
    tpu.vector_store_idx %arg5[%broadcast_in_dim3A_322, %add3A_320], %gather3A_292 : memref<8x4224xf32, #tpu.memory_space<vmem>>[vector<16xi32>, vector<16xi32>], vector<16xf32>,
    %sub3A_323 = arith.constant 4063 : i32
    %sub3A_324 = arith.subi %sub3A_323, %sub3A_3 : i32
    %sub3A_325 = arith.constant 4 : i32
    %sub3A_326 = arith.subi %sub3A_324, %sub3A_325 : i32
    %add3A_327 = arith.constant 48 : i32
    %add3A_328 = arith.addi %sub3A_326, %add3A_327 : i32
    %add3A_329 = vector.broadcast %add3A_328 : i32 to vector<16xi32>
    %add3A_330 = arith.addi %add3A_329, %iota3A : vector<16xi32>
    %broadcast_in_dim3A_331 = arith.constant 3 : i32
    %broadcast_in_dim3A_332 = vector.broadcast %broadcast_in_dim3A_331 : i32 to vector<16xi32>
    tpu.vector_store_idx %arg5[%broadcast_in_dim3A_332, %add3A_330], %gather3A_292 : memref<8x4224xf32, #tpu.memory_space<vmem>>[vector<16xi32>, vector<16xi32>], vector<16xf32>,
    %sub3A_333 = arith.constant 4063 : i32
    %sub3A_334 = arith.subi %sub3A_333, %sub3A_3 : i32
    %sub3A_335 = arith.constant 3 : i32
    %sub3A_336 = arith.subi %sub3A_334, %sub3A_335 : i32
    %add3A_337 = arith.constant 48 : i32
    %add3A_338 = arith.addi %sub3A_336, %add3A_337 : i32
    %add3A_339 = vector.broadcast %add3A_338 : i32 to vector<16xi32>
    %add3A_340 = arith.addi %add3A_339, %iota3A : vector<16xi32>
    %broadcast_in_dim3A_341 = arith.constant 4 : i32
    %broadcast_in_dim3A_342 = vector.broadcast %broadcast_in_dim3A_341 : i32 to vector<16xi32>
    tpu.vector_store_idx %arg5[%broadcast_in_dim3A_342, %add3A_340], %gather3A_292 : memref<8x4224xf32, #tpu.memory_space<vmem>>[vector<16xi32>, vector<16xi32>], vector<16xf32>,
    %sub3A_343 = arith.constant 4063 : i32
    %sub3A_344 = arith.subi %sub3A_343, %sub3A_3 : i32
    %sub3A_345 = arith.constant 2 : i32
    %sub3A_346 = arith.subi %sub3A_344, %sub3A_345 : i32
    %add3A_347 = arith.constant 48 : i32
    %add3A_348 = arith.addi %sub3A_346, %add3A_347 : i32
    %add3A_349 = vector.broadcast %add3A_348 : i32 to vector<16xi32>
    %add3A_350 = arith.addi %add3A_349, %iota3A : vector<16xi32>
    %broadcast_in_dim3A_351 = arith.constant 5 : i32
    %broadcast_in_dim3A_352 = vector.broadcast %broadcast_in_dim3A_351 : i32 to vector<16xi32>
    tpu.vector_store_idx %arg5[%broadcast_in_dim3A_352, %add3A_350], %gather3A_292 : memref<8x4224xf32, #tpu.memory_space<vmem>>[vector<16xi32>, vector<16xi32>], vector<16xf32>,
    %sub3A_353 = arith.constant 4063 : i32
    %sub3A_354 = arith.subi %sub3A_353, %sub3A_3 : i32
    %sub3A_355 = arith.constant 1 : i32
    %sub3A_356 = arith.subi %sub3A_354, %sub3A_355 : i32
    %add3A_357 = arith.constant 48 : i32
    %add3A_358 = arith.addi %sub3A_356, %add3A_357 : i32
    %add3A_359 = vector.broadcast %add3A_358 : i32 to vector<16xi32>
    %add3A_360 = arith.addi %add3A_359, %iota3A : vector<16xi32>
    %broadcast_in_dim3A_361 = arith.constant 6 : i32
    %broadcast_in_dim3A_362 = vector.broadcast %broadcast_in_dim3A_361 : i32 to vector<16xi32>
    tpu.vector_store_idx %arg5[%broadcast_in_dim3A_362, %add3A_360], %gather3A_292 : memref<8x4224xf32, #tpu.memory_space<vmem>>[vector<16xi32>, vector<16xi32>], vector<16xf32>,
    %sub3A_363 = arith.constant 4063 : i32
    %sub3A_364 = arith.subi %sub3A_363, %sub3A_3 : i32
    %sub3A_365 = arith.constant 0 : i32
    %sub3A_366 = arith.subi %sub3A_364, %sub3A_365 : i32
    %add3A_367 = arith.constant 48 : i32
    %add3A_368 = arith.addi %sub3A_366, %add3A_367 : i32
    %add3A_369 = vector.broadcast %add3A_368 : i32 to vector<16xi32>
    %add3A_370 = arith.addi %add3A_369, %iota3A : vector<16xi32>
    %broadcast_in_dim3A_371 = arith.constant 7 : i32
    %broadcast_in_dim3A_372 = vector.broadcast %broadcast_in_dim3A_371 : i32 to vector<16xi32>
    tpu.vector_store_idx %arg5[%broadcast_in_dim3A_372, %add3A_370], %gather3A_292 : memref<8x4224xf32, #tpu.memory_space<vmem>>[vector<16xi32>, vector<16xi32>], vector<16xf32>,
    %add3A_373 = arith.constant 4127 : i32
    %add3A_374 = vector.broadcast %add3A_373 : i32 to vector<16xi32>
    %add3A_375 = arith.addi %add3A_374, %iota3A : vector<16xi32>
    %sub3A_376 = arith.constant 4095 : i32
    %sub3A_377 = vector.broadcast %sub3A_376 : i32 to vector<16xi32>
    %sub3A_378 = arith.subi %add3A_375, %sub3A_377 : vector<16xi32>
    %abs3A_379 = math.absi %sub3A_378 : vector<16xi32>
    %min3A_380 = arith.constant 32 : i32
    %min3A_381 = vector.broadcast %min3A_380 : i32 to vector<16xi32>
    %min3A_382 = arith.minsi %abs3A_379, %min3A_381 : vector<16xi32>
    %gather3A_383 = tpu.vector_load_idx %arg4[%min3A_382, %broadcast_in_dim3A_4] : memref<65x1xf32, #tpu.memory_space<vmem>>[vector<16xi32>, vector<16xi32>], vector<16xf32>,
    %sub3A_384 = arith.constant 4063 : i32
    %sub3A_385 = arith.subi %sub3A_384, %sub3A_3 : i32
    %sub3A_386 = arith.constant 7 : i32
    %sub3A_387 = arith.subi %sub3A_385, %sub3A_386 : i32
    %add3A_388 = arith.constant 64 : i32
    %add3A_389 = arith.addi %sub3A_387, %add3A_388 : i32
    %add3A_390 = vector.broadcast %add3A_389 : i32 to vector<16xi32>
    %add3A_391 = arith.addi %add3A_390, %iota3A : vector<16xi32>
    %broadcast_in_dim3A_392 = arith.constant 0 : i32
    %broadcast_in_dim3A_393 = vector.broadcast %broadcast_in_dim3A_392 : i32 to vector<16xi32>
    tpu.vector_store_idx %arg5[%broadcast_in_dim3A_393, %add3A_391], %gather3A_383 : memref<8x4224xf32, #tpu.memory_space<vmem>>[vector<16xi32>, vector<16xi32>], vector<16xf32>,
    %sub3A_394 = arith.constant 4063 : i32
    %sub3A_395 = arith.subi %sub3A_394, %sub3A_3 : i32
    %sub3A_396 = arith.constant 6 : i32
    %sub3A_397 = arith.subi %sub3A_395, %sub3A_396 : i32
    %add3A_398 = arith.constant 64 : i32
    %add3A_399 = arith.addi %sub3A_397, %add3A_398 : i32
    %add3A_400 = vector.broadcast %add3A_399 : i32 to vector<16xi32>
    %add3A_401 = arith.addi %add3A_400, %iota3A : vector<16xi32>
    %broadcast_in_dim3A_402 = arith.constant 1 : i32
    %broadcast_in_dim3A_403 = vector.broadcast %broadcast_in_dim3A_402 : i32 to vector<16xi32>
    tpu.vector_store_idx %arg5[%broadcast_in_dim3A_403, %add3A_401], %gather3A_383 : memref<8x4224xf32, #tpu.memory_space<vmem>>[vector<16xi32>, vector<16xi32>], vector<16xf32>,
    %sub3A_404 = arith.constant 4063 : i32
    %sub3A_405 = arith.subi %sub3A_404, %sub3A_3 : i32
    %sub3A_406 = arith.constant 5 : i32
    %sub3A_407 = arith.subi %sub3A_405, %sub3A_406 : i32
    %add3A_408 = arith.constant 64 : i32
    %add3A_409 = arith.addi %sub3A_407, %add3A_408 : i32
    %add3A_410 = vector.broadcast %add3A_409 : i32 to vector<16xi32>
    %add3A_411 = arith.addi %add3A_410, %iota3A : vector<16xi32>
    %broadcast_in_dim3A_412 = arith.constant 2 : i32
    %broadcast_in_dim3A_413 = vector.broadcast %broadcast_in_dim3A_412 : i32 to vector<16xi32>
    tpu.vector_store_idx %arg5[%broadcast_in_dim3A_413, %add3A_411], %gather3A_383 : memref<8x4224xf32, #tpu.memory_space<vmem>>[vector<16xi32>, vector<16xi32>], vector<16xf32>,
    %sub3A_414 = arith.constant 4063 : i32
    %sub3A_415 = arith.subi %sub3A_414, %sub3A_3 : i32
    %sub3A_416 = arith.constant 4 : i32
    %sub3A_417 = arith.subi %sub3A_415, %sub3A_416 : i32
    %add3A_418 = arith.constant 64 : i32
    %add3A_419 = arith.addi %sub3A_417, %add3A_418 : i32
    %add3A_420 = vector.broadcast %add3A_419 : i32 to vector<16xi32>
    %add3A_421 = arith.addi %add3A_420, %iota3A : vector<16xi32>
    %broadcast_in_dim3A_422 = arith.constant 3 : i32
    %broadcast_in_dim3A_423 = vector.broadcast %broadcast_in_dim3A_422 : i32 to vector<16xi32>
    tpu.vector_store_idx %arg5[%broadcast_in_dim3A_423, %add3A_421], %gather3A_383 : memref<8x4224xf32, #tpu.memory_space<vmem>>[vector<16xi32>, vector<16xi32>], vector<16xf32>,
    %sub3A_424 = arith.constant 4063 : i32
    %sub3A_425 = arith.subi %sub3A_424, %sub3A_3 : i32
    %sub3A_426 = arith.constant 3 : i32
    %sub3A_427 = arith.subi %sub3A_425, %sub3A_426 : i32
    %add3A_428 = arith.constant 64 : i32
    %add3A_429 = arith.addi %sub3A_427, %add3A_428 : i32
    %add3A_430 = vector.broadcast %add3A_429 : i32 to vector<16xi32>
    %add3A_431 = arith.addi %add3A_430, %iota3A : vector<16xi32>
    %broadcast_in_dim3A_432 = arith.constant 4 : i32
    %broadcast_in_dim3A_433 = vector.broadcast %broadcast_in_dim3A_432 : i32 to vector<16xi32>
    tpu.vector_store_idx %arg5[%broadcast_in_dim3A_433, %add3A_431], %gather3A_383 : memref<8x4224xf32, #tpu.memory_space<vmem>>[vector<16xi32>, vector<16xi32>], vector<16xf32>,
    %sub3A_434 = arith.constant 4063 : i32
    %sub3A_435 = arith.subi %sub3A_434, %sub3A_3 : i32
    %sub3A_436 = arith.constant 2 : i32
    %sub3A_437 = arith.subi %sub3A_435, %sub3A_436 : i32
    %add3A_438 = arith.constant 64 : i32
    %add3A_439 = arith.addi %sub3A_437, %add3A_438 : i32
    %add3A_440 = vector.broadcast %add3A_439 : i32 to vector<16xi32>
    %add3A_441 = arith.addi %add3A_440, %iota3A : vector<16xi32>
    %broadcast_in_dim3A_442 = arith.constant 5 : i32
    %broadcast_in_dim3A_443 = vector.broadcast %broadcast_in_dim3A_442 : i32 to vector<16xi32>
    tpu.vector_store_idx %arg5[%broadcast_in_dim3A_443, %add3A_441], %gather3A_383 : memref<8x4224xf32, #tpu.memory_space<vmem>>[vector<16xi32>, vector<16xi32>], vector<16xf32>,
    %sub3A_444 = arith.constant 4063 : i32
    %sub3A_445 = arith.subi %sub3A_444, %sub3A_3 : i32
    %sub3A_446 = arith.constant 1 : i32
    %sub3A_447 = arith.subi %sub3A_445, %sub3A_446 : i32
    %add3A_448 = arith.constant 64 : i32
    %add3A_449 = arith.addi %sub3A_447, %add3A_448 : i32
    %add3A_450 = vector.broadcast %add3A_449 : i32 to vector<16xi32>
    %add3A_451 = arith.addi %add3A_450, %iota3A : vector<16xi32>
    %broadcast_in_dim3A_452 = arith.constant 6 : i32
    %broadcast_in_dim3A_453 = vector.broadcast %broadcast_in_dim3A_452 : i32 to vector<16xi32>
    tpu.vector_store_idx %arg5[%broadcast_in_dim3A_453, %add3A_451], %gather3A_383 : memref<8x4224xf32, #tpu.memory_space<vmem>>[vector<16xi32>, vector<16xi32>], vector<16xf32>,
    %sub3A_454 = arith.constant 4063 : i32
    %sub3A_455 = arith.subi %sub3A_454, %sub3A_3 : i32
    %sub3A_456 = arith.constant 0 : i32
    %sub3A_457 = arith.subi %sub3A_455, %sub3A_456 : i32
    %add3A_458 = arith.constant 64 : i32
    %add3A_459 = arith.addi %sub3A_457, %add3A_458 : i32
    %add3A_460 = vector.broadcast %add3A_459 : i32 to vector<16xi32>
    %add3A_461 = arith.addi %add3A_460, %iota3A : vector<16xi32>
    %broadcast_in_dim3A_462 = arith.constant 7 : i32
    %broadcast_in_dim3A_463 = vector.broadcast %broadcast_in_dim3A_462 : i32 to vector<16xi32>
    tpu.vector_store_idx %arg5[%broadcast_in_dim3A_463, %add3A_461], %gather3A_383 : memref<8x4224xf32, #tpu.memory_space<vmem>>[vector<16xi32>, vector<16xi32>], vector<16xf32>,
    %add3A_464 = arith.constant 4143 : i32
    %add3A_465 = vector.broadcast %add3A_464 : i32 to vector<16xi32>
    %add3A_466 = arith.addi %add3A_465, %iota3A : vector<16xi32>
    %sub3A_467 = arith.constant 4095 : i32
    %sub3A_468 = vector.broadcast %sub3A_467 : i32 to vector<16xi32>
    %sub3A_469 = arith.subi %add3A_466, %sub3A_468 : vector<16xi32>
    %abs3A_470 = math.absi %sub3A_469 : vector<16xi32>
    %min3A_471 = arith.constant 32 : i32
    %min3A_472 = vector.broadcast %min3A_471 : i32 to vector<16xi32>
    %min3A_473 = arith.minsi %abs3A_470, %min3A_472 : vector<16xi32>
    %gather3A_474 = tpu.vector_load_idx %arg4[%min3A_473, %broadcast_in_dim3A_4] : memref<65x1xf32, #tpu.memory_space<vmem>>[vector<16xi32>, vector<16xi32>], vector<16xf32>,
    %sub3A_475 = arith.constant 4063 : i32
    %sub3A_476 = arith.subi %sub3A_475, %sub3A_3 : i32
    %sub3A_477 = arith.constant 7 : i32
    %sub3A_478 = arith.subi %sub3A_476, %sub3A_477 : i32
    %add3A_479 = arith.constant 80 : i32
    %add3A_480 = arith.addi %sub3A_478, %add3A_479 : i32
    %add3A_481 = vector.broadcast %add3A_480 : i32 to vector<16xi32>
    %add3A_482 = arith.addi %add3A_481, %iota3A : vector<16xi32>
    %broadcast_in_dim3A_483 = arith.constant 0 : i32
    %broadcast_in_dim3A_484 = vector.broadcast %broadcast_in_dim3A_483 : i32 to vector<16xi32>
    tpu.vector_store_idx %arg5[%broadcast_in_dim3A_484, %add3A_482], %gather3A_474 : memref<8x4224xf32, #tpu.memory_space<vmem>>[vector<16xi32>, vector<16xi32>], vector<16xf32>,
    %sub3A_485 = arith.constant 4063 : i32
    %sub3A_486 = arith.subi %sub3A_485, %sub3A_3 : i32
    %sub3A_487 = arith.constant 6 : i32
    %sub3A_488 = arith.subi %sub3A_486, %sub3A_487 : i32
    %add3A_489 = arith.constant 80 : i32
    %add3A_490 = arith.addi %sub3A_488, %add3A_489 : i32
    %add3A_491 = vector.broadcast %add3A_490 : i32 to vector<16xi32>
    %add3A_492 = arith.addi %add3A_491, %iota3A : vector<16xi32>
    %broadcast_in_dim3A_493 = arith.constant 1 : i32
    %broadcast_in_dim3A_494 = vector.broadcast %broadcast_in_dim3A_493 : i32 to vector<16xi32>
    tpu.vector_store_idx %arg5[%broadcast_in_dim3A_494, %add3A_492], %gather3A_474 : memref<8x4224xf32, #tpu.memory_space<vmem>>[vector<16xi32>, vector<16xi32>], vector<16xf32>,
    %sub3A_495 = arith.constant 4063 : i32
    %sub3A_496 = arith.subi %sub3A_495, %sub3A_3 : i32
    %sub3A_497 = arith.constant 5 : i32
    %sub3A_498 = arith.subi %sub3A_496, %sub3A_497 : i32
    %add3A_499 = arith.constant 80 : i32
    %add3A_500 = arith.addi %sub3A_498, %add3A_499 : i32
    %add3A_501 = vector.broadcast %add3A_500 : i32 to vector<16xi32>
    %add3A_502 = arith.addi %add3A_501, %iota3A : vector<16xi32>
    %broadcast_in_dim3A_503 = arith.constant 2 : i32
    %broadcast_in_dim3A_504 = vector.broadcast %broadcast_in_dim3A_503 : i32 to vector<16xi32>
    tpu.vector_store_idx %arg5[%broadcast_in_dim3A_504, %add3A_502], %gather3A_474 : memref<8x4224xf32, #tpu.memory_space<vmem>>[vector<16xi32>, vector<16xi32>], vector<16xf32>,
    %sub3A_505 = arith.constant 4063 : i32
    %sub3A_506 = arith.subi %sub3A_505, %sub3A_3 : i32
    %sub3A_507 = arith.constant 4 : i32
    %sub3A_508 = arith.subi %sub3A_506, %sub3A_507 : i32
    %add3A_509 = arith.constant 80 : i32
    %add3A_510 = arith.addi %sub3A_508, %add3A_509 : i32
    %add3A_511 = vector.broadcast %add3A_510 : i32 to vector<16xi32>
    %add3A_512 = arith.addi %add3A_511, %iota3A : vector<16xi32>
    %broadcast_in_dim3A_513 = arith.constant 3 : i32
    %broadcast_in_dim3A_514 = vector.broadcast %broadcast_in_dim3A_513 : i32 to vector<16xi32>
    tpu.vector_store_idx %arg5[%broadcast_in_dim3A_514, %add3A_512], %gather3A_474 : memref<8x4224xf32, #tpu.memory_space<vmem>>[vector<16xi32>, vector<16xi32>], vector<16xf32>,
    %sub3A_515 = arith.constant 4063 : i32
    %sub3A_516 = arith.subi %sub3A_515, %sub3A_3 : i32
    %sub3A_517 = arith.constant 3 : i32
    %sub3A_518 = arith.subi %sub3A_516, %sub3A_517 : i32
    %add3A_519 = arith.constant 80 : i32
    %add3A_520 = arith.addi %sub3A_518, %add3A_519 : i32
    %add3A_521 = vector.broadcast %add3A_520 : i32 to vector<16xi32>
    %add3A_522 = arith.addi %add3A_521, %iota3A : vector<16xi32>
    %broadcast_in_dim3A_523 = arith.constant 4 : i32
    %broadcast_in_dim3A_524 = vector.broadcast %broadcast_in_dim3A_523 : i32 to vector<16xi32>
    tpu.vector_store_idx %arg5[%broadcast_in_dim3A_524, %add3A_522], %gather3A_474 : memref<8x4224xf32, #tpu.memory_space<vmem>>[vector<16xi32>, vector<16xi32>], vector<16xf32>,
    %sub3A_525 = arith.constant 4063 : i32
    %sub3A_526 = arith.subi %sub3A_525, %sub3A_3 : i32
    %sub3A_527 = arith.constant 2 : i32
    %sub3A_528 = arith.subi %sub3A_526, %sub3A_527 : i32
    %add3A_529 = arith.constant 80 : i32
    %add3A_530 = arith.addi %sub3A_528, %add3A_529 : i32
    %add3A_531 = vector.broadcast %add3A_530 : i32 to vector<16xi32>
    %add3A_532 = arith.addi %add3A_531, %iota3A : vector<16xi32>
    %broadcast_in_dim3A_533 = arith.constant 5 : i32
    %broadcast_in_dim3A_534 = vector.broadcast %broadcast_in_dim3A_533 : i32 to vector<16xi32>
    tpu.vector_store_idx %arg5[%broadcast_in_dim3A_534, %add3A_532], %gather3A_474 : memref<8x4224xf32, #tpu.memory_space<vmem>>[vector<16xi32>, vector<16xi32>], vector<16xf32>,
    %sub3A_535 = arith.constant 4063 : i32
    %sub3A_536 = arith.subi %sub3A_535, %sub3A_3 : i32
    %sub3A_537 = arith.constant 1 : i32
    %sub3A_538 = arith.subi %sub3A_536, %sub3A_537 : i32
    %add3A_539 = arith.constant 80 : i32
    %add3A_540 = arith.addi %sub3A_538, %add3A_539 : i32
    %add3A_541 = vector.broadcast %add3A_540 : i32 to vector<16xi32>
    %add3A_542 = arith.addi %add3A_541, %iota3A : vector<16xi32>
    %broadcast_in_dim3A_543 = arith.constant 6 : i32
    %broadcast_in_dim3A_544 = vector.broadcast %broadcast_in_dim3A_543 : i32 to vector<16xi32>
    tpu.vector_store_idx %arg5[%broadcast_in_dim3A_544, %add3A_542], %gather3A_474 : memref<8x4224xf32, #tpu.memory_space<vmem>>[vector<16xi32>, vector<16xi32>], vector<16xf32>,
    %sub3A_545 = arith.constant 4063 : i32
    %sub3A_546 = arith.subi %sub3A_545, %sub3A_3 : i32
    %sub3A_547 = arith.constant 0 : i32
    %sub3A_548 = arith.subi %sub3A_546, %sub3A_547 : i32
    %add3A_549 = arith.constant 80 : i32
    %add3A_550 = arith.addi %sub3A_548, %add3A_549 : i32
    %add3A_551 = vector.broadcast %add3A_550 : i32 to vector<16xi32>
    %add3A_552 = arith.addi %add3A_551, %iota3A : vector<16xi32>
    %broadcast_in_dim3A_553 = arith.constant 7 : i32
    %broadcast_in_dim3A_554 = vector.broadcast %broadcast_in_dim3A_553 : i32 to vector<16xi32>
    tpu.vector_store_idx %arg5[%broadcast_in_dim3A_554, %add3A_552], %gather3A_474 : memref<8x4224xf32, #tpu.memory_space<vmem>>[vector<16xi32>, vector<16xi32>], vector<16xf32>,
    %add3A_555 = arith.constant 0 : i32
    %add3A_556 = arith.addi %mul3A_2, %add3A_555 : i32
    %multiple_of3A = tpu.assume_multiple %add3A_556, 8 : i32
    %dma_start3A = arith.constant 0 : i32
    %dma_start3A_557 = arith.constant 0 : i32
    %dma_start3A_558 = arith.constant 0 : i32
    %dma_start3A_559 = arith.constant 120 : i32
    %dma_start3A_560 = tpu.memref_slice %arg5[%dma_start3A_558, %dma_start3A_559] : memref<8x4224xf32, #tpu.memory_space<vmem>> -> memref<8x4096xf32, #tpu.memory_space<vmem>>
    %dma_start3A_561 = arith.constant 0 : i32
    %dma_start3A_562 = tpu.memref_slice %arg3[%dma_start3A, %dma_start3A_557, %multiple_of3A, %dma_start3A_561] : memref<1x1x4096x4096xf32, #tpu.memory_space<hbm>> -> memref<1x1x8x4096xf32, #tpu.memory_space<hbm>>
    %dma_start3A_563 = tpu.memref_squeeze %dma_start3A_562 : memref<1x1x8x4096xf32, #tpu.memory_space<hbm>> -> memref<8x4096xf32, #tpu.memory_space<hbm>>
    %dma_start3A_564 = arith.constant 0 : i32
    %dma_start3A_565 = tpu.memref_slice %arg3[%dma_start3A, %dma_start3A_557, %multiple_of3A, %dma_start3A_564] : memref<1x1x4096x4096xf32, #tpu.memory_space<hbm>> -> memref<1x1x8x4096xf32, #tpu.memory_space<hbm>>
    %dma_start3A_566 = tpu.memref_squeeze %dma_start3A_565 : memref<1x1x8x4096xf32, #tpu.memory_space<hbm>> -> memref<8x4096xf32, #tpu.memory_space<hbm>>
    %dma_start3A_567 = arith.constant 0 : i32
    %dma_start3A_568 = arith.constant 120 : i32
    %dma_start3A_569 = tpu.memref_slice %arg5[%dma_start3A_567, %dma_start3A_568] : memref<8x4224xf32, #tpu.memory_space<vmem>> -> memref<8x4096xf32, #tpu.memory_space<vmem>>
    tpu.enqueue_dma source(%dma_start3A_569 : memref<8x4096xf32, #tpu.memory_space<vmem>>) target(%dma_start3A_566 : memref<8x4096xf32, #tpu.memory_space<hbm>>) target_semaphore(%arg6 : memref<!tpu.dma_semaphore, #tpu.memory_space<semaphore_mem>>)
    %add3A_570 = arith.constant 8 : i32
    %add3A_571 = arith.addi %mul3A_2, %add3A_570 : i32
    %multiple_of3A_572 = tpu.assume_multiple %add3A_571, 8 : i32
    %dma_start3A_573 = arith.constant 0 : i32
    %dma_start3A_574 = arith.constant 0 : i32
    %dma_start3A_575 = arith.constant 0 : i32
    %dma_start3A_576 = arith.constant 112 : i32
    %dma_start3A_577 = tpu.memref_slice %arg5[%dma_start3A_575, %dma_start3A_576] : memref<8x4224xf32, #tpu.memory_space<vmem>> -> memref<8x4096xf32, #tpu.memory_space<vmem>>
    %dma_start3A_578 = arith.constant 0 : i32
    %dma_start3A_579 = tpu.memref_slice %arg3[%dma_start3A_573, %dma_start3A_574, %multiple_of3A_572, %dma_start3A_578] : memref<1x1x4096x4096xf32, #tpu.memory_space<hbm>> -> memref<1x1x8x4096xf32, #tpu.memory_space<hbm>>
    %dma_start3A_580 = tpu.memref_squeeze %dma_start3A_579 : memref<1x1x8x4096xf32, #tpu.memory_space<hbm>> -> memref<8x4096xf32, #tpu.memory_space<hbm>>
    %dma_start3A_581 = arith.constant 0 : i32
    %dma_start3A_582 = tpu.memref_slice %arg3[%dma_start3A_573, %dma_start3A_574, %multiple_of3A_572, %dma_start3A_581] : memref<1x1x4096x4096xf32, #tpu.memory_space<hbm>> -> memref<1x1x8x4096xf32, #tpu.memory_space<hbm>>
    %dma_start3A_583 = tpu.memref_squeeze %dma_start3A_582 : memref<1x1x8x4096xf32, #tpu.memory_space<hbm>> -> memref<8x4096xf32, #tpu.memory_space<hbm>>
    %dma_start3A_584 = arith.constant 0 : i32
    %dma_start3A_585 = arith.constant 112 : i32
    %dma_start3A_586 = tpu.memref_slice %arg5[%dma_start3A_584, %dma_start3A_585] : memref<8x4224xf32, #tpu.memory_space<vmem>> -> memref<8x4096xf32, #tpu.memory_space<vmem>>
    tpu.enqueue_dma source(%dma_start3A_586 : memref<8x4096xf32, #tpu.memory_space<vmem>>) target(%dma_start3A_583 : memref<8x4096xf32, #tpu.memory_space<hbm>>) target_semaphore(%arg6 : memref<!tpu.dma_semaphore, #tpu.memory_space<semaphore_mem>>)
    %add3A_587 = arith.constant 16 : i32
    %add3A_588 = arith.addi %mul3A_2, %add3A_587 : i32
    %multiple_of3A_589 = tpu.assume_multiple %add3A_588, 8 : i32
    %dma_start3A_590 = arith.constant 0 : i32
    %dma_start3A_591 = arith.constant 0 : i32
    %dma_start3A_592 = arith.constant 0 : i32
    %dma_start3A_593 = arith.constant 104 : i32
    %dma_start3A_594 = tpu.memref_slice %arg5[%dma_start3A_592, %dma_start3A_593] : memref<8x4224xf32, #tpu.memory_space<vmem>> -> memref<8x4096xf32, #tpu.memory_space<vmem>>
    %dma_start3A_595 = arith.constant 0 : i32
    %dma_start3A_596 = tpu.memref_slice %arg3[%dma_start3A_590, %dma_start3A_591, %multiple_of3A_589, %dma_start3A_595] : memref<1x1x4096x4096xf32, #tpu.memory_space<hbm>> -> memref<1x1x8x4096xf32, #tpu.memory_space<hbm>>
    %dma_start3A_597 = tpu.memref_squeeze %dma_start3A_596 : memref<1x1x8x4096xf32, #tpu.memory_space<hbm>> -> memref<8x4096xf32, #tpu.memory_space<hbm>>
    %dma_start3A_598 = arith.constant 0 : i32
    %dma_start3A_599 = tpu.memref_slice %arg3[%dma_start3A_590, %dma_start3A_591, %multiple_of3A_589, %dma_start3A_598] : memref<1x1x4096x4096xf32, #tpu.memory_space<hbm>> -> memref<1x1x8x4096xf32, #tpu.memory_space<hbm>>
    %dma_start3A_600 = tpu.memref_squeeze %dma_start3A_599 : memref<1x1x8x4096xf32, #tpu.memory_space<hbm>> -> memref<8x4096xf32, #tpu.memory_space<hbm>>
    %dma_start3A_601 = arith.constant 0 : i32
    %dma_start3A_602 = arith.constant 104 : i32
    %dma_start3A_603 = tpu.memref_slice %arg5[%dma_start3A_601, %dma_start3A_602] : memref<8x4224xf32, #tpu.memory_space<vmem>> -> memref<8x4096xf32, #tpu.memory_space<vmem>>
    tpu.enqueue_dma source(%dma_start3A_603 : memref<8x4096xf32, #tpu.memory_space<vmem>>) target(%dma_start3A_600 : memref<8x4096xf32, #tpu.memory_space<hbm>>) target_semaphore(%arg6 : memref<!tpu.dma_semaphore, #tpu.memory_space<semaphore_mem>>)
    %add3A_604 = arith.constant 24 : i32
    %add3A_605 = arith.addi %mul3A_2, %add3A_604 : i32
    %multiple_of3A_606 = tpu.assume_multiple %add3A_605, 8 : i32
    %dma_start3A_607 = arith.constant 0 : i32
    %dma_start3A_608 = arith.constant 0 : i32
    %dma_start3A_609 = arith.constant 0 : i32
    %dma_start3A_610 = arith.constant 96 : i32
    %dma_start3A_611 = tpu.memref_slice %arg5[%dma_start3A_609, %dma_start3A_610] : memref<8x4224xf32, #tpu.memory_space<vmem>> -> memref<8x4096xf32, #tpu.memory_space<vmem>>
    %dma_start3A_612 = arith.constant 0 : i32
    %dma_start3A_613 = tpu.memref_slice %arg3[%dma_start3A_607, %dma_start3A_608, %multiple_of3A_606, %dma_start3A_612] : memref<1x1x4096x4096xf32, #tpu.memory_space<hbm>> -> memref<1x1x8x4096xf32, #tpu.memory_space<hbm>>
    %dma_start3A_614 = tpu.memref_squeeze %dma_start3A_613 : memref<1x1x8x4096xf32, #tpu.memory_space<hbm>> -> memref<8x4096xf32, #tpu.memory_space<hbm>>
    %dma_start3A_615 = arith.constant 0 : i32
    %dma_start3A_616 = tpu.memref_slice %arg3[%dma_start3A_607, %dma_start3A_608, %multiple_of3A_606, %dma_start3A_615] : memref<1x1x4096x4096xf32, #tpu.memory_space<hbm>> -> memref<1x1x8x4096xf32, #tpu.memory_space<hbm>>
    %dma_start3A_617 = tpu.memref_squeeze %dma_start3A_616 : memref<1x1x8x4096xf32, #tpu.memory_space<hbm>> -> memref<8x4096xf32, #tpu.memory_space<hbm>>
    %dma_start3A_618 = arith.constant 0 : i32
    %dma_start3A_619 = arith.constant 96 : i32
    %dma_start3A_620 = tpu.memref_slice %arg5[%dma_start3A_618, %dma_start3A_619] : memref<8x4224xf32, #tpu.memory_space<vmem>> -> memref<8x4096xf32, #tpu.memory_space<vmem>>
    tpu.enqueue_dma source(%dma_start3A_620 : memref<8x4096xf32, #tpu.memory_space<vmem>>) target(%dma_start3A_617 : memref<8x4096xf32, #tpu.memory_space<hbm>>) target_semaphore(%arg6 : memref<!tpu.dma_semaphore, #tpu.memory_space<semaphore_mem>>)
    %add3A_621 = arith.constant 32 : i32
    %add3A_622 = arith.addi %mul3A_2, %add3A_621 : i32
    %multiple_of3A_623 = tpu.assume_multiple %add3A_622, 8 : i32
    %dma_start3A_624 = arith.constant 0 : i32
    %dma_start3A_625 = arith.constant 0 : i32
    %dma_start3A_626 = arith.constant 0 : i32
    %dma_start3A_627 = arith.constant 88 : i32
    %dma_start3A_628 = tpu.memref_slice %arg5[%dma_start3A_626, %dma_start3A_627] : memref<8x4224xf32, #tpu.memory_space<vmem>> -> memref<8x4096xf32, #tpu.memory_space<vmem>>
    %dma_start3A_629 = arith.constant 0 : i32
    %dma_start3A_630 = tpu.memref_slice %arg3[%dma_start3A_624, %dma_start3A_625, %multiple_of3A_623, %dma_start3A_629] : memref<1x1x4096x4096xf32, #tpu.memory_space<hbm>> -> memref<1x1x8x4096xf32, #tpu.memory_space<hbm>>
    %dma_start3A_631 = tpu.memref_squeeze %dma_start3A_630 : memref<1x1x8x4096xf32, #tpu.memory_space<hbm>> -> memref<8x4096xf32, #tpu.memory_space<hbm>>
    %dma_start3A_632 = arith.constant 0 : i32
    %dma_start3A_633 = tpu.memref_slice %arg3[%dma_start3A_624, %dma_start3A_625, %multiple_of3A_623, %dma_start3A_632] : memref<1x1x4096x4096xf32, #tpu.memory_space<hbm>> -> memref<1x1x8x4096xf32, #tpu.memory_space<hbm>>
    %dma_start3A_634 = tpu.memref_squeeze %dma_start3A_633 : memref<1x1x8x4096xf32, #tpu.memory_space<hbm>> -> memref<8x4096xf32, #tpu.memory_space<hbm>>
    %dma_start3A_635 = arith.constant 0 : i32
    %dma_start3A_636 = arith.constant 88 : i32
    %dma_start3A_637 = tpu.memref_slice %arg5[%dma_start3A_635, %dma_start3A_636] : memref<8x4224xf32, #tpu.memory_space<vmem>> -> memref<8x4096xf32, #tpu.memory_space<vmem>>
    tpu.enqueue_dma source(%dma_start3A_637 : memref<8x4096xf32, #tpu.memory_space<vmem>>) target(%dma_start3A_634 : memref<8x4096xf32, #tpu.memory_space<hbm>>) target_semaphore(%arg6 : memref<!tpu.dma_semaphore, #tpu.memory_space<semaphore_mem>>)
    %add3A_638 = arith.constant 40 : i32
    %add3A_639 = arith.addi %mul3A_2, %add3A_638 : i32
    %multiple_of3A_640 = tpu.assume_multiple %add3A_639, 8 : i32
    %dma_start3A_641 = arith.constant 0 : i32
    %dma_start3A_642 = arith.constant 0 : i32
    %dma_start3A_643 = arith.constant 0 : i32
    %dma_start3A_644 = arith.constant 80 : i32
    %dma_start3A_645 = tpu.memref_slice %arg5[%dma_start3A_643, %dma_start3A_644] : memref<8x4224xf32, #tpu.memory_space<vmem>> -> memref<8x4096xf32, #tpu.memory_space<vmem>>
    %dma_start3A_646 = arith.constant 0 : i32
    %dma_start3A_647 = tpu.memref_slice %arg3[%dma_start3A_641, %dma_start3A_642, %multiple_of3A_640, %dma_start3A_646] : memref<1x1x4096x4096xf32, #tpu.memory_space<hbm>> -> memref<1x1x8x4096xf32, #tpu.memory_space<hbm>>
    %dma_start3A_648 = tpu.memref_squeeze %dma_start3A_647 : memref<1x1x8x4096xf32, #tpu.memory_space<hbm>> -> memref<8x4096xf32, #tpu.memory_space<hbm>>
    %dma_start3A_649 = arith.constant 0 : i32
    %dma_start3A_650 = tpu.memref_slice %arg3[%dma_start3A_641, %dma_start3A_642, %multiple_of3A_640, %dma_start3A_649] : memref<1x1x4096x4096xf32, #tpu.memory_space<hbm>> -> memref<1x1x8x4096xf32, #tpu.memory_space<hbm>>
    %dma_start3A_651 = tpu.memref_squeeze %dma_start3A_650 : memref<1x1x8x4096xf32, #tpu.memory_space<hbm>> -> memref<8x4096xf32, #tpu.memory_space<hbm>>
    %dma_start3A_652 = arith.constant 0 : i32
    %dma_start3A_653 = arith.constant 80 : i32
    %dma_start3A_654 = tpu.memref_slice %arg5[%dma_start3A_652, %dma_start3A_653] : memref<8x4224xf32, #tpu.memory_space<vmem>> -> memref<8x4096xf32, #tpu.memory_space<vmem>>
    tpu.enqueue_dma source(%dma_start3A_654 : memref<8x4096xf32, #tpu.memory_space<vmem>>) target(%dma_start3A_651 : memref<8x4096xf32, #tpu.memory_space<hbm>>) target_semaphore(%arg6 : memref<!tpu.dma_semaphore, #tpu.memory_space<semaphore_mem>>)
    %add3A_655 = arith.constant 48 : i32
    %add3A_656 = arith.addi %mul3A_2, %add3A_655 : i32
    %multiple_of3A_657 = tpu.assume_multiple %add3A_656, 8 : i32
    %dma_start3A_658 = arith.constant 0 : i32
    %dma_start3A_659 = arith.constant 0 : i32
    %dma_start3A_660 = arith.constant 0 : i32
    %dma_start3A_661 = arith.constant 72 : i32
    %dma_start3A_662 = tpu.memref_slice %arg5[%dma_start3A_660, %dma_start3A_661] : memref<8x4224xf32, #tpu.memory_space<vmem>> -> memref<8x4096xf32, #tpu.memory_space<vmem>>
    %dma_start3A_663 = arith.constant 0 : i32
    %dma_start3A_664 = tpu.memref_slice %arg3[%dma_start3A_658, %dma_start3A_659, %multiple_of3A_657, %dma_start3A_663] : memref<1x1x4096x4096xf32, #tpu.memory_space<hbm>> -> memref<1x1x8x4096xf32, #tpu.memory_space<hbm>>
    %dma_start3A_665 = tpu.memref_squeeze %dma_start3A_664 : memref<1x1x8x4096xf32, #tpu.memory_space<hbm>> -> memref<8x4096xf32, #tpu.memory_space<hbm>>
    %dma_start3A_666 = arith.constant 0 : i32
    %dma_start3A_667 = tpu.memref_slice %arg3[%dma_start3A_658, %dma_start3A_659, %multiple_of3A_657, %dma_start3A_666] : memref<1x1x4096x4096xf32, #tpu.memory_space<hbm>> -> memref<1x1x8x4096xf32, #tpu.memory_space<hbm>>
    %dma_start3A_668 = tpu.memref_squeeze %dma_start3A_667 : memref<1x1x8x4096xf32, #tpu.memory_space<hbm>> -> memref<8x4096xf32, #tpu.memory_space<hbm>>
    %dma_start3A_669 = arith.constant 0 : i32
    %dma_start3A_670 = arith.constant 72 : i32
    %dma_start3A_671 = tpu.memref_slice %arg5[%dma_start3A_669, %dma_start3A_670] : memref<8x4224xf32, #tpu.memory_space<vmem>> -> memref<8x4096xf32, #tpu.memory_space<vmem>>
    tpu.enqueue_dma source(%dma_start3A_671 : memref<8x4096xf32, #tpu.memory_space<vmem>>) target(%dma_start3A_668 : memref<8x4096xf32, #tpu.memory_space<hbm>>) target_semaphore(%arg6 : memref<!tpu.dma_semaphore, #tpu.memory_space<semaphore_mem>>)
    %add3A_672 = arith.constant 56 : i32
    %add3A_673 = arith.addi %mul3A_2, %add3A_672 : i32
    %multiple_of3A_674 = tpu.assume_multiple %add3A_673, 8 : i32
    %dma_start3A_675 = arith.constant 0 : i32
    %dma_start3A_676 = arith.constant 0 : i32
    %dma_start3A_677 = arith.constant 0 : i32
    %dma_start3A_678 = arith.constant 64 : i32
    %dma_start3A_679 = tpu.memref_slice %arg5[%dma_start3A_677, %dma_start3A_678] : memref<8x4224xf32, #tpu.memory_space<vmem>> -> memref<8x4096xf32, #tpu.memory_space<vmem>>
    %dma_start3A_680 = arith.constant 0 : i32
    %dma_start3A_681 = tpu.memref_slice %arg3[%dma_start3A_675, %dma_start3A_676, %multiple_of3A_674, %dma_start3A_680] : memref<1x1x4096x4096xf32, #tpu.memory_space<hbm>> -> memref<1x1x8x4096xf32, #tpu.memory_space<hbm>>
    %dma_start3A_682 = tpu.memref_squeeze %dma_start3A_681 : memref<1x1x8x4096xf32, #tpu.memory_space<hbm>> -> memref<8x4096xf32, #tpu.memory_space<hbm>>
    %dma_start3A_683 = arith.constant 0 : i32
    %dma_start3A_684 = tpu.memref_slice %arg3[%dma_start3A_675, %dma_start3A_676, %multiple_of3A_674, %dma_start3A_683] : memref<1x1x4096x4096xf32, #tpu.memory_space<hbm>> -> memref<1x1x8x4096xf32, #tpu.memory_space<hbm>>
    %dma_start3A_685 = tpu.memref_squeeze %dma_start3A_684 : memref<1x1x8x4096xf32, #tpu.memory_space<hbm>> -> memref<8x4096xf32, #tpu.memory_space<hbm>>
    %dma_start3A_686 = arith.constant 0 : i32
    %dma_start3A_687 = arith.constant 64 : i32
    %dma_start3A_688 = tpu.memref_slice %arg5[%dma_start3A_686, %dma_start3A_687] : memref<8x4224xf32, #tpu.memory_space<vmem>> -> memref<8x4096xf32, #tpu.memory_space<vmem>>
    tpu.enqueue_dma source(%dma_start3A_688 : memref<8x4096xf32, #tpu.memory_space<vmem>>) target(%dma_start3A_685 : memref<8x4096xf32, #tpu.memory_space<hbm>>) target_semaphore(%arg6 : memref<!tpu.dma_semaphore, #tpu.memory_space<semaphore_mem>>)
    %add3A_689 = arith.constant 64 : i32
    %add3A_690 = arith.addi %mul3A_2, %add3A_689 : i32
    %multiple_of3A_691 = tpu.assume_multiple %add3A_690, 8 : i32
    %dma_start3A_692 = arith.constant 0 : i32
    %dma_start3A_693 = arith.constant 0 : i32
    %dma_start3A_694 = arith.constant 0 : i32
    %dma_start3A_695 = arith.constant 56 : i32
    %dma_start3A_696 = tpu.memref_slice %arg5[%dma_start3A_694, %dma_start3A_695] : memref<8x4224xf32, #tpu.memory_space<vmem>> -> memref<8x4096xf32, #tpu.memory_space<vmem>>
    %dma_start3A_697 = arith.constant 0 : i32
    %dma_start3A_698 = tpu.memref_slice %arg3[%dma_start3A_692, %dma_start3A_693, %multiple_of3A_691, %dma_start3A_697] : memref<1x1x4096x4096xf32, #tpu.memory_space<hbm>> -> memref<1x1x8x4096xf32, #tpu.memory_space<hbm>>
    %dma_start3A_699 = tpu.memref_squeeze %dma_start3A_698 : memref<1x1x8x4096xf32, #tpu.memory_space<hbm>> -> memref<8x4096xf32, #tpu.memory_space<hbm>>
    %dma_start3A_700 = arith.constant 0 : i32
    %dma_start3A_701 = tpu.memref_slice %arg3[%dma_start3A_692, %dma_start3A_693, %multiple_of3A_691, %dma_start3A_700] : memref<1x1x4096x4096xf32, #tpu.memory_space<hbm>> -> memref<1x1x8x4096xf32, #tpu.memory_space<hbm>>
    %dma_start3A_702 = tpu.memref_squeeze %dma_start3A_701 : memref<1x1x8x4096xf32, #tpu.memory_space<hbm>> -> memref<8x4096xf32, #tpu.memory_space<hbm>>
    %dma_start3A_703 = arith.constant 0 : i32
    %dma_start3A_704 = arith.constant 56 : i32
    %dma_start3A_705 = tpu.memref_slice %arg5[%dma_start3A_703, %dma_start3A_704] : memref<8x4224xf32, #tpu.memory_space<vmem>> -> memref<8x4096xf32, #tpu.memory_space<vmem>>
    tpu.enqueue_dma source(%dma_start3A_705 : memref<8x4096xf32, #tpu.memory_space<vmem>>) target(%dma_start3A_702 : memref<8x4096xf32, #tpu.memory_space<hbm>>) target_semaphore(%arg6 : memref<!tpu.dma_semaphore, #tpu.memory_space<semaphore_mem>>)
    %add3A_706 = arith.constant 72 : i32
    %add3A_707 = arith.addi %mul3A_2, %add3A_706 : i32
    %multiple_of3A_708 = tpu.assume_multiple %add3A_707, 8 : i32
    %dma_start3A_709 = arith.constant 0 : i32
    %dma_start3A_710 = arith.constant 0 : i32
    %dma_start3A_711 = arith.constant 0 : i32
    %dma_start3A_712 = arith.constant 48 : i32
    %dma_start3A_713 = tpu.memref_slice %arg5[%dma_start3A_711, %dma_start3A_712] : memref<8x4224xf32, #tpu.memory_space<vmem>> -> memref<8x4096xf32, #tpu.memory_space<vmem>>
    %dma_start3A_714 = arith.constant 0 : i32
    %dma_start3A_715 = tpu.memref_slice %arg3[%dma_start3A_709, %dma_start3A_710, %multiple_of3A_708, %dma_start3A_714] : memref<1x1x4096x4096xf32, #tpu.memory_space<hbm>> -> memref<1x1x8x4096xf32, #tpu.memory_space<hbm>>
    %dma_start3A_716 = tpu.memref_squeeze %dma_start3A_715 : memref<1x1x8x4096xf32, #tpu.memory_space<hbm>> -> memref<8x4096xf32, #tpu.memory_space<hbm>>
    %dma_start3A_717 = arith.constant 0 : i32
    %dma_start3A_718 = tpu.memref_slice %arg3[%dma_start3A_709, %dma_start3A_710, %multiple_of3A_708, %dma_start3A_717] : memref<1x1x4096x4096xf32, #tpu.memory_space<hbm>> -> memref<1x1x8x4096xf32, #tpu.memory_space<hbm>>
    %dma_start3A_719 = tpu.memref_squeeze %dma_start3A_718 : memref<1x1x8x4096xf32, #tpu.memory_space<hbm>> -> memref<8x4096xf32, #tpu.memory_space<hbm>>
    %dma_start3A_720 = arith.constant 0 : i32
    %dma_start3A_721 = arith.constant 48 : i32
    %dma_start3A_722 = tpu.memref_slice %arg5[%dma_start3A_720, %dma_start3A_721] : memref<8x4224xf32, #tpu.memory_space<vmem>> -> memref<8x4096xf32, #tpu.memory_space<vmem>>
    tpu.enqueue_dma source(%dma_start3A_722 : memref<8x4096xf32, #tpu.memory_space<vmem>>) target(%dma_start3A_719 : memref<8x4096xf32, #tpu.memory_space<hbm>>) target_semaphore(%arg6 : memref<!tpu.dma_semaphore, #tpu.memory_space<semaphore_mem>>)
    %add3A_723 = arith.constant 80 : i32
    %add3A_724 = arith.addi %mul3A_2, %add3A_723 : i32
    %multiple_of3A_725 = tpu.assume_multiple %add3A_724, 8 : i32
    %dma_start3A_726 = arith.constant 0 : i32
    %dma_start3A_727 = arith.constant 0 : i32
    %dma_start3A_728 = arith.constant 0 : i32
    %dma_start3A_729 = arith.constant 40 : i32
    %dma_start3A_730 = tpu.memref_slice %arg5[%dma_start3A_728, %dma_start3A_729] : memref<8x4224xf32, #tpu.memory_space<vmem>> -> memref<8x4096xf32, #tpu.memory_space<vmem>>
    %dma_start3A_731 = arith.constant 0 : i32
    %dma_start3A_732 = tpu.memref_slice %arg3[%dma_start3A_726, %dma_start3A_727, %multiple_of3A_725, %dma_start3A_731] : memref<1x1x4096x4096xf32, #tpu.memory_space<hbm>> -> memref<1x1x8x4096xf32, #tpu.memory_space<hbm>>
    %dma_start3A_733 = tpu.memref_squeeze %dma_start3A_732 : memref<1x1x8x4096xf32, #tpu.memory_space<hbm>> -> memref<8x4096xf32, #tpu.memory_space<hbm>>
    %dma_start3A_734 = arith.constant 0 : i32
    %dma_start3A_735 = tpu.memref_slice %arg3[%dma_start3A_726, %dma_start3A_727, %multiple_of3A_725, %dma_start3A_734] : memref<1x1x4096x4096xf32, #tpu.memory_space<hbm>> -> memref<1x1x8x4096xf32, #tpu.memory_space<hbm>>
    %dma_start3A_736 = tpu.memref_squeeze %dma_start3A_735 : memref<1x1x8x4096xf32, #tpu.memory_space<hbm>> -> memref<8x4096xf32, #tpu.memory_space<hbm>>
    %dma_start3A_737 = arith.constant 0 : i32
    %dma_start3A_738 = arith.constant 40 : i32
    %dma_start3A_739 = tpu.memref_slice %arg5[%dma_start3A_737, %dma_start3A_738] : memref<8x4224xf32, #tpu.memory_space<vmem>> -> memref<8x4096xf32, #tpu.memory_space<vmem>>
    tpu.enqueue_dma source(%dma_start3A_739 : memref<8x4096xf32, #tpu.memory_space<vmem>>) target(%dma_start3A_736 : memref<8x4096xf32, #tpu.memory_space<hbm>>) target_semaphore(%arg6 : memref<!tpu.dma_semaphore, #tpu.memory_space<semaphore_mem>>)
    %add3A_740 = arith.constant 88 : i32
    %add3A_741 = arith.addi %mul3A_2, %add3A_740 : i32
    %multiple_of3A_742 = tpu.assume_multiple %add3A_741, 8 : i32
    %dma_start3A_743 = arith.constant 0 : i32
    %dma_start3A_744 = arith.constant 0 : i32
    %dma_start3A_745 = arith.constant 0 : i32
    %dma_start3A_746 = arith.constant 32 : i32
    %dma_start3A_747 = tpu.memref_slice %arg5[%dma_start3A_745, %dma_start3A_746] : memref<8x4224xf32, #tpu.memory_space<vmem>> -> memref<8x4096xf32, #tpu.memory_space<vmem>>
    %dma_start3A_748 = arith.constant 0 : i32
    %dma_start3A_749 = tpu.memref_slice %arg3[%dma_start3A_743, %dma_start3A_744, %multiple_of3A_742, %dma_start3A_748] : memref<1x1x4096x4096xf32, #tpu.memory_space<hbm>> -> memref<1x1x8x4096xf32, #tpu.memory_space<hbm>>
    %dma_start3A_750 = tpu.memref_squeeze %dma_start3A_749 : memref<1x1x8x4096xf32, #tpu.memory_space<hbm>> -> memref<8x4096xf32, #tpu.memory_space<hbm>>
    %dma_start3A_751 = arith.constant 0 : i32
    %dma_start3A_752 = tpu.memref_slice %arg3[%dma_start3A_743, %dma_start3A_744, %multiple_of3A_742, %dma_start3A_751] : memref<1x1x4096x4096xf32, #tpu.memory_space<hbm>> -> memref<1x1x8x4096xf32, #tpu.memory_space<hbm>>
    %dma_start3A_753 = tpu.memref_squeeze %dma_start3A_752 : memref<1x1x8x4096xf32, #tpu.memory_space<hbm>> -> memref<8x4096xf32, #tpu.memory_space<hbm>>
    %dma_start3A_754 = arith.constant 0 : i32
    %dma_start3A_755 = arith.constant 32 : i32
    %dma_start3A_756 = tpu.memref_slice %arg5[%dma_start3A_754, %dma_start3A_755] : memref<8x4224xf32, #tpu.memory_space<vmem>> -> memref<8x4096xf32, #tpu.memory_space<vmem>>
    tpu.enqueue_dma source(%dma_start3A_756 : memref<8x4096xf32, #tpu.memory_space<vmem>>) target(%dma_start3A_753 : memref<8x4096xf32, #tpu.memory_space<hbm>>) target_semaphore(%arg6 : memref<!tpu.dma_semaphore, #tpu.memory_space<semaphore_mem>>)
    %add3A_757 = arith.constant 96 : i32
    %add3A_758 = arith.addi %mul3A_2, %add3A_757 : i32
    %multiple_of3A_759 = tpu.assume_multiple %add3A_758, 8 : i32
    %dma_start3A_760 = arith.constant 0 : i32
    %dma_start3A_761 = arith.constant 0 : i32
    %dma_start3A_762 = arith.constant 0 : i32
    %dma_start3A_763 = arith.constant 24 : i32
    %dma_start3A_764 = tpu.memref_slice %arg5[%dma_start3A_762, %dma_start3A_763] : memref<8x4224xf32, #tpu.memory_space<vmem>> -> memref<8x4096xf32, #tpu.memory_space<vmem>>
    %dma_start3A_765 = arith.constant 0 : i32
    %dma_start3A_766 = tpu.memref_slice %arg3[%dma_start3A_760, %dma_start3A_761, %multiple_of3A_759, %dma_start3A_765] : memref<1x1x4096x4096xf32, #tpu.memory_space<hbm>> -> memref<1x1x8x4096xf32, #tpu.memory_space<hbm>>
    %dma_start3A_767 = tpu.memref_squeeze %dma_start3A_766 : memref<1x1x8x4096xf32, #tpu.memory_space<hbm>> -> memref<8x4096xf32, #tpu.memory_space<hbm>>
    %dma_start3A_768 = arith.constant 0 : i32
    %dma_start3A_769 = tpu.memref_slice %arg3[%dma_start3A_760, %dma_start3A_761, %multiple_of3A_759, %dma_start3A_768] : memref<1x1x4096x4096xf32, #tpu.memory_space<hbm>> -> memref<1x1x8x4096xf32, #tpu.memory_space<hbm>>
    %dma_start3A_770 = tpu.memref_squeeze %dma_start3A_769 : memref<1x1x8x4096xf32, #tpu.memory_space<hbm>> -> memref<8x4096xf32, #tpu.memory_space<hbm>>
    %dma_start3A_771 = arith.constant 0 : i32
    %dma_start3A_772 = arith.constant 24 : i32
    %dma_start3A_773 = tpu.memref_slice %arg5[%dma_start3A_771, %dma_start3A_772] : memref<8x4224xf32, #tpu.memory_space<vmem>> -> memref<8x4096xf32, #tpu.memory_space<vmem>>
    tpu.enqueue_dma source(%dma_start3A_773 : memref<8x4096xf32, #tpu.memory_space<vmem>>) target(%dma_start3A_770 : memref<8x4096xf32, #tpu.memory_space<hbm>>) target_semaphore(%arg6 : memref<!tpu.dma_semaphore, #tpu.memory_space<semaphore_mem>>)
    %add3A_774 = arith.constant 104 : i32
    %add3A_775 = arith.addi %mul3A_2, %add3A_774 : i32
    %multiple_of3A_776 = tpu.assume_multiple %add3A_775, 8 : i32
    %dma_start3A_777 = arith.constant 0 : i32
    %dma_start3A_778 = arith.constant 0 : i32
    %dma_start3A_779 = arith.constant 0 : i32
    %dma_start3A_780 = arith.constant 16 : i32
    %dma_start3A_781 = tpu.memref_slice %arg5[%dma_start3A_779, %dma_start3A_780] : memref<8x4224xf32, #tpu.memory_space<vmem>> -> memref<8x4096xf32, #tpu.memory_space<vmem>>
    %dma_start3A_782 = arith.constant 0 : i32
    %dma_start3A_783 = tpu.memref_slice %arg3[%dma_start3A_777, %dma_start3A_778, %multiple_of3A_776, %dma_start3A_782] : memref<1x1x4096x4096xf32, #tpu.memory_space<hbm>> -> memref<1x1x8x4096xf32, #tpu.memory_space<hbm>>
    %dma_start3A_784 = tpu.memref_squeeze %dma_start3A_783 : memref<1x1x8x4096xf32, #tpu.memory_space<hbm>> -> memref<8x4096xf32, #tpu.memory_space<hbm>>
    %dma_start3A_785 = arith.constant 0 : i32
    %dma_start3A_786 = tpu.memref_slice %arg3[%dma_start3A_777, %dma_start3A_778, %multiple_of3A_776, %dma_start3A_785] : memref<1x1x4096x4096xf32, #tpu.memory_space<hbm>> -> memref<1x1x8x4096xf32, #tpu.memory_space<hbm>>
    %dma_start3A_787 = tpu.memref_squeeze %dma_start3A_786 : memref<1x1x8x4096xf32, #tpu.memory_space<hbm>> -> memref<8x4096xf32, #tpu.memory_space<hbm>>
    %dma_start3A_788 = arith.constant 0 : i32
    %dma_start3A_789 = arith.constant 16 : i32
    %dma_start3A_790 = tpu.memref_slice %arg5[%dma_start3A_788, %dma_start3A_789] : memref<8x4224xf32, #tpu.memory_space<vmem>> -> memref<8x4096xf32, #tpu.memory_space<vmem>>
    tpu.enqueue_dma source(%dma_start3A_790 : memref<8x4096xf32, #tpu.memory_space<vmem>>) target(%dma_start3A_787 : memref<8x4096xf32, #tpu.memory_space<hbm>>) target_semaphore(%arg6 : memref<!tpu.dma_semaphore, #tpu.memory_space<semaphore_mem>>)
    %add3A_791 = arith.constant 112 : i32
    %add3A_792 = arith.addi %mul3A_2, %add3A_791 : i32
    %multiple_of3A_793 = tpu.assume_multiple %add3A_792, 8 : i32
    %dma_start3A_794 = arith.constant 0 : i32
    %dma_start3A_795 = arith.constant 0 : i32
    %dma_start3A_796 = arith.constant 0 : i32
    %dma_start3A_797 = arith.constant 8 : i32
    %dma_start3A_798 = tpu.memref_slice %arg5[%dma_start3A_796, %dma_start3A_797] : memref<8x4224xf32, #tpu.memory_space<vmem>> -> memref<8x4096xf32, #tpu.memory_space<vmem>>
    %dma_start3A_799 = arith.constant 0 : i32
    %dma_start3A_800 = tpu.memref_slice %arg3[%dma_start3A_794, %dma_start3A_795, %multiple_of3A_793, %dma_start3A_799] : memref<1x1x4096x4096xf32, #tpu.memory_space<hbm>> -> memref<1x1x8x4096xf32, #tpu.memory_space<hbm>>
    %dma_start3A_801 = tpu.memref_squeeze %dma_start3A_800 : memref<1x1x8x4096xf32, #tpu.memory_space<hbm>> -> memref<8x4096xf32, #tpu.memory_space<hbm>>
    %dma_start3A_802 = arith.constant 0 : i32
    %dma_start3A_803 = tpu.memref_slice %arg3[%dma_start3A_794, %dma_start3A_795, %multiple_of3A_793, %dma_start3A_802] : memref<1x1x4096x4096xf32, #tpu.memory_space<hbm>> -> memref<1x1x8x4096xf32, #tpu.memory_space<hbm>>
    %dma_start3A_804 = tpu.memref_squeeze %dma_start3A_803 : memref<1x1x8x4096xf32, #tpu.memory_space<hbm>> -> memref<8x4096xf32, #tpu.memory_space<hbm>>
    %dma_start3A_805 = arith.constant 0 : i32
    %dma_start3A_806 = arith.constant 8 : i32
    %dma_start3A_807 = tpu.memref_slice %arg5[%dma_start3A_805, %dma_start3A_806] : memref<8x4224xf32, #tpu.memory_space<vmem>> -> memref<8x4096xf32, #tpu.memory_space<vmem>>
    tpu.enqueue_dma source(%dma_start3A_807 : memref<8x4096xf32, #tpu.memory_space<vmem>>) target(%dma_start3A_804 : memref<8x4096xf32, #tpu.memory_space<hbm>>) target_semaphore(%arg6 : memref<!tpu.dma_semaphore, #tpu.memory_space<semaphore_mem>>)
    %add3A_808 = arith.constant 120 : i32
    %add3A_809 = arith.addi %mul3A_2, %add3A_808 : i32
    %multiple_of3A_810 = tpu.assume_multiple %add3A_809, 8 : i32
    %dma_start3A_811 = arith.constant 0 : i32
    %dma_start3A_812 = arith.constant 0 : i32
    %dma_start3A_813 = arith.constant 0 : i32
    %dma_start3A_814 = arith.constant 0 : i32
    %dma_start3A_815 = tpu.memref_slice %arg5[%dma_start3A_813, %dma_start3A_814] : memref<8x4224xf32, #tpu.memory_space<vmem>> -> memref<8x4096xf32, #tpu.memory_space<vmem>>
    %dma_start3A_816 = arith.constant 0 : i32
    %dma_start3A_817 = tpu.memref_slice %arg3[%dma_start3A_811, %dma_start3A_812, %multiple_of3A_810, %dma_start3A_816] : memref<1x1x4096x4096xf32, #tpu.memory_space<hbm>> -> memref<1x1x8x4096xf32, #tpu.memory_space<hbm>>
    %dma_start3A_818 = tpu.memref_squeeze %dma_start3A_817 : memref<1x1x8x4096xf32, #tpu.memory_space<hbm>> -> memref<8x4096xf32, #tpu.memory_space<hbm>>
    %dma_start3A_819 = arith.constant 0 : i32
    %dma_start3A_820 = tpu.memref_slice %arg3[%dma_start3A_811, %dma_start3A_812, %multiple_of3A_810, %dma_start3A_819] : memref<1x1x4096x4096xf32, #tpu.memory_space<hbm>> -> memref<1x1x8x4096xf32, #tpu.memory_space<hbm>>
    %dma_start3A_821 = tpu.memref_squeeze %dma_start3A_820 : memref<1x1x8x4096xf32, #tpu.memory_space<hbm>> -> memref<8x4096xf32, #tpu.memory_space<hbm>>
    %dma_start3A_822 = arith.constant 0 : i32
    %dma_start3A_823 = arith.constant 0 : i32
    %dma_start3A_824 = tpu.memref_slice %arg5[%dma_start3A_822, %dma_start3A_823] : memref<8x4224xf32, #tpu.memory_space<vmem>> -> memref<8x4096xf32, #tpu.memory_space<vmem>>
    tpu.enqueue_dma source(%dma_start3A_824 : memref<8x4096xf32, #tpu.memory_space<vmem>>) target(%dma_start3A_821 : memref<8x4096xf32, #tpu.memory_space<hbm>>) target_semaphore(%arg6 : memref<!tpu.dma_semaphore, #tpu.memory_space<semaphore_mem>>)
    %dma_wait3A = arith.constant 0 : i32
    %dma_wait3A_825 = arith.constant 0 : i32
    %dma_wait3A_826 = arith.constant 0 : i32
    %dma_wait3A_827 = arith.constant 120 : i32
    %dma_wait3A_828 = tpu.memref_slice %arg5[%dma_wait3A_826, %dma_wait3A_827] : memref<8x4224xf32, #tpu.memory_space<vmem>> -> memref<8x4096xf32, #tpu.memory_space<vmem>>
    %dma_wait3A_829 = arith.constant 0 : i32
    %dma_wait3A_830 = tpu.memref_slice %arg3[%dma_wait3A, %dma_wait3A_825, %multiple_of3A, %dma_wait3A_829] : memref<1x1x4096x4096xf32, #tpu.memory_space<hbm>> -> memref<1x1x8x4096xf32, #tpu.memory_space<hbm>>
    %dma_wait3A_831 = tpu.memref_squeeze %dma_wait3A_830 : memref<1x1x8x4096xf32, #tpu.memory_space<hbm>> -> memref<8x4096xf32, #tpu.memory_space<hbm>>
    %dma_wait3A_832 = arith.constant 0 : i32
    %dma_wait3A_833 = tpu.memref_slice %arg3[%dma_wait3A, %dma_wait3A_825, %multiple_of3A, %dma_wait3A_832] : memref<1x1x4096x4096xf32, #tpu.memory_space<hbm>> -> memref<1x1x8x4096xf32, #tpu.memory_space<hbm>>
    %dma_wait3A_834 = tpu.memref_squeeze %dma_wait3A_833 : memref<1x1x8x4096xf32, #tpu.memory_space<hbm>> -> memref<8x4096xf32, #tpu.memory_space<hbm>>
    %dma_wait3A_835 = arith.constant 0 : i32
    %dma_wait3A_836 = arith.constant 120 : i32
    %dma_wait3A_837 = tpu.memref_slice %arg5[%dma_wait3A_835, %dma_wait3A_836] : memref<8x4224xf32, #tpu.memory_space<vmem>> -> memref<8x4096xf32, #tpu.memory_space<vmem>>
    tpu.wait_dma2 semaphore(%arg6 : memref<!tpu.dma_semaphore, #tpu.memory_space<semaphore_mem>>) src(%dma_wait3A_837 : memref<8x4096xf32, #tpu.memory_space<vmem>>) dst(%dma_wait3A_834 : memref<8x4096xf32, #tpu.memory_space<hbm>>)
    %dma_wait3A_838 = arith.constant 0 : i32
    %dma_wait3A_839 = arith.constant 0 : i32
    %dma_wait3A_840 = arith.constant 0 : i32
    %dma_wait3A_841 = arith.constant 112 : i32
    %dma_wait3A_842 = tpu.memref_slice %arg5[%dma_wait3A_840, %dma_wait3A_841] : memref<8x4224xf32, #tpu.memory_space<vmem>> -> memref<8x4096xf32, #tpu.memory_space<vmem>>
    %dma_wait3A_843 = arith.constant 0 : i32
    %dma_wait3A_844 = tpu.memref_slice %arg3[%dma_wait3A_838, %dma_wait3A_839, %multiple_of3A_572, %dma_wait3A_843] : memref<1x1x4096x4096xf32, #tpu.memory_space<hbm>> -> memref<1x1x8x4096xf32, #tpu.memory_space<hbm>>
    %dma_wait3A_845 = tpu.memref_squeeze %dma_wait3A_844 : memref<1x1x8x4096xf32, #tpu.memory_space<hbm>> -> memref<8x4096xf32, #tpu.memory_space<hbm>>
    %dma_wait3A_846 = arith.constant 0 : i32
    %dma_wait3A_847 = tpu.memref_slice %arg3[%dma_wait3A_838, %dma_wait3A_839, %multiple_of3A_572, %dma_wait3A_846] : memref<1x1x4096x4096xf32, #tpu.memory_space<hbm>> -> memref<1x1x8x4096xf32, #tpu.memory_space<hbm>>
    %dma_wait3A_848 = tpu.memref_squeeze %dma_wait3A_847 : memref<1x1x8x4096xf32, #tpu.memory_space<hbm>> -> memref<8x4096xf32, #tpu.memory_space<hbm>>
    %dma_wait3A_849 = arith.constant 0 : i32
    %dma_wait3A_850 = arith.constant 112 : i32
    %dma_wait3A_851 = tpu.memref_slice %arg5[%dma_wait3A_849, %dma_wait3A_850] : memref<8x4224xf32, #tpu.memory_space<vmem>> -> memref<8x4096xf32, #tpu.memory_space<vmem>>
    tpu.wait_dma2 semaphore(%arg6 : memref<!tpu.dma_semaphore, #tpu.memory_space<semaphore_mem>>) src(%dma_wait3A_851 : memref<8x4096xf32, #tpu.memory_space<vmem>>) dst(%dma_wait3A_848 : memref<8x4096xf32, #tpu.memory_space<hbm>>)
    %dma_wait3A_852 = arith.constant 0 : i32
    %dma_wait3A_853 = arith.constant 0 : i32
    %dma_wait3A_854 = arith.constant 0 : i32
    %dma_wait3A_855 = arith.constant 104 : i32
    %dma_wait3A_856 = tpu.memref_slice %arg5[%dma_wait3A_854, %dma_wait3A_855] : memref<8x4224xf32, #tpu.memory_space<vmem>> -> memref<8x4096xf32, #tpu.memory_space<vmem>>
    %dma_wait3A_857 = arith.constant 0 : i32
    %dma_wait3A_858 = tpu.memref_slice %arg3[%dma_wait3A_852, %dma_wait3A_853, %multiple_of3A_589, %dma_wait3A_857] : memref<1x1x4096x4096xf32, #tpu.memory_space<hbm>> -> memref<1x1x8x4096xf32, #tpu.memory_space<hbm>>
    %dma_wait3A_859 = tpu.memref_squeeze %dma_wait3A_858 : memref<1x1x8x4096xf32, #tpu.memory_space<hbm>> -> memref<8x4096xf32, #tpu.memory_space<hbm>>
    %dma_wait3A_860 = arith.constant 0 : i32
    %dma_wait3A_861 = tpu.memref_slice %arg3[%dma_wait3A_852, %dma_wait3A_853, %multiple_of3A_589, %dma_wait3A_860] : memref<1x1x4096x4096xf32, #tpu.memory_space<hbm>> -> memref<1x1x8x4096xf32, #tpu.memory_space<hbm>>
    %dma_wait3A_862 = tpu.memref_squeeze %dma_wait3A_861 : memref<1x1x8x4096xf32, #tpu.memory_space<hbm>> -> memref<8x4096xf32, #tpu.memory_space<hbm>>
    %dma_wait3A_863 = arith.constant 0 : i32
    %dma_wait3A_864 = arith.constant 104 : i32
    %dma_wait3A_865 = tpu.memref_slice %arg5[%dma_wait3A_863, %dma_wait3A_864] : memref<8x4224xf32, #tpu.memory_space<vmem>> -> memref<8x4096xf32, #tpu.memory_space<vmem>>
    tpu.wait_dma2 semaphore(%arg6 : memref<!tpu.dma_semaphore, #tpu.memory_space<semaphore_mem>>) src(%dma_wait3A_865 : memref<8x4096xf32, #tpu.memory_space<vmem>>) dst(%dma_wait3A_862 : memref<8x4096xf32, #tpu.memory_space<hbm>>)
    %dma_wait3A_866 = arith.constant 0 : i32
    %dma_wait3A_867 = arith.constant 0 : i32
    %dma_wait3A_868 = arith.constant 0 : i32
    %dma_wait3A_869 = arith.constant 96 : i32
    %dma_wait3A_870 = tpu.memref_slice %arg5[%dma_wait3A_868, %dma_wait3A_869] : memref<8x4224xf32, #tpu.memory_space<vmem>> -> memref<8x4096xf32, #tpu.memory_space<vmem>>
    %dma_wait3A_871 = arith.constant 0 : i32
    %dma_wait3A_872 = tpu.memref_slice %arg3[%dma_wait3A_866, %dma_wait3A_867, %multiple_of3A_606, %dma_wait3A_871] : memref<1x1x4096x4096xf32, #tpu.memory_space<hbm>> -> memref<1x1x8x4096xf32, #tpu.memory_space<hbm>>
    %dma_wait3A_873 = tpu.memref_squeeze %dma_wait3A_872 : memref<1x1x8x4096xf32, #tpu.memory_space<hbm>> -> memref<8x4096xf32, #tpu.memory_space<hbm>>
    %dma_wait3A_874 = arith.constant 0 : i32
    %dma_wait3A_875 = tpu.memref_slice %arg3[%dma_wait3A_866, %dma_wait3A_867, %multiple_of3A_606, %dma_wait3A_874] : memref<1x1x4096x4096xf32, #tpu.memory_space<hbm>> -> memref<1x1x8x4096xf32, #tpu.memory_space<hbm>>
    %dma_wait3A_876 = tpu.memref_squeeze %dma_wait3A_875 : memref<1x1x8x4096xf32, #tpu.memory_space<hbm>> -> memref<8x4096xf32, #tpu.memory_space<hbm>>
    %dma_wait3A_877 = arith.constant 0 : i32
    %dma_wait3A_878 = arith.constant 96 : i32
    %dma_wait3A_879 = tpu.memref_slice %arg5[%dma_wait3A_877, %dma_wait3A_878] : memref<8x4224xf32, #tpu.memory_space<vmem>> -> memref<8x4096xf32, #tpu.memory_space<vmem>>
    tpu.wait_dma2 semaphore(%arg6 : memref<!tpu.dma_semaphore, #tpu.memory_space<semaphore_mem>>) src(%dma_wait3A_879 : memref<8x4096xf32, #tpu.memory_space<vmem>>) dst(%dma_wait3A_876 : memref<8x4096xf32, #tpu.memory_space<hbm>>)
    %dma_wait3A_880 = arith.constant 0 : i32
    %dma_wait3A_881 = arith.constant 0 : i32
    %dma_wait3A_882 = arith.constant 0 : i32
    %dma_wait3A_883 = arith.constant 88 : i32
    %dma_wait3A_884 = tpu.memref_slice %arg5[%dma_wait3A_882, %dma_wait3A_883] : memref<8x4224xf32, #tpu.memory_space<vmem>> -> memref<8x4096xf32, #tpu.memory_space<vmem>>
    %dma_wait3A_885 = arith.constant 0 : i32
    %dma_wait3A_886 = tpu.memref_slice %arg3[%dma_wait3A_880, %dma_wait3A_881, %multiple_of3A_623, %dma_wait3A_885] : memref<1x1x4096x4096xf32, #tpu.memory_space<hbm>> -> memref<1x1x8x4096xf32, #tpu.memory_space<hbm>>
    %dma_wait3A_887 = tpu.memref_squeeze %dma_wait3A_886 : memref<1x1x8x4096xf32, #tpu.memory_space<hbm>> -> memref<8x4096xf32, #tpu.memory_space<hbm>>
    %dma_wait3A_888 = arith.constant 0 : i32
    %dma_wait3A_889 = tpu.memref_slice %arg3[%dma_wait3A_880, %dma_wait3A_881, %multiple_of3A_623, %dma_wait3A_888] : memref<1x1x4096x4096xf32, #tpu.memory_space<hbm>> -> memref<1x1x8x4096xf32, #tpu.memory_space<hbm>>
    %dma_wait3A_890 = tpu.memref_squeeze %dma_wait3A_889 : memref<1x1x8x4096xf32, #tpu.memory_space<hbm>> -> memref<8x4096xf32, #tpu.memory_space<hbm>>
    %dma_wait3A_891 = arith.constant 0 : i32
    %dma_wait3A_892 = arith.constant 88 : i32
    %dma_wait3A_893 = tpu.memref_slice %arg5[%dma_wait3A_891, %dma_wait3A_892] : memref<8x4224xf32, #tpu.memory_space<vmem>> -> memref<8x4096xf32, #tpu.memory_space<vmem>>
    tpu.wait_dma2 semaphore(%arg6 : memref<!tpu.dma_semaphore, #tpu.memory_space<semaphore_mem>>) src(%dma_wait3A_893 : memref<8x4096xf32, #tpu.memory_space<vmem>>) dst(%dma_wait3A_890 : memref<8x4096xf32, #tpu.memory_space<hbm>>)
    %dma_wait3A_894 = arith.constant 0 : i32
    %dma_wait3A_895 = arith.constant 0 : i32
    %dma_wait3A_896 = arith.constant 0 : i32
    %dma_wait3A_897 = arith.constant 80 : i32
    %dma_wait3A_898 = tpu.memref_slice %arg5[%dma_wait3A_896, %dma_wait3A_897] : memref<8x4224xf32, #tpu.memory_space<vmem>> -> memref<8x4096xf32, #tpu.memory_space<vmem>>
    %dma_wait3A_899 = arith.constant 0 : i32
    %dma_wait3A_900 = tpu.memref_slice %arg3[%dma_wait3A_894, %dma_wait3A_895, %multiple_of3A_640, %dma_wait3A_899] : memref<1x1x4096x4096xf32, #tpu.memory_space<hbm>> -> memref<1x1x8x4096xf32, #tpu.memory_space<hbm>>
    %dma_wait3A_901 = tpu.memref_squeeze %dma_wait3A_900 : memref<1x1x8x4096xf32, #tpu.memory_space<hbm>> -> memref<8x4096xf32, #tpu.memory_space<hbm>>
    %dma_wait3A_902 = arith.constant 0 : i32
    %dma_wait3A_903 = tpu.memref_slice %arg3[%dma_wait3A_894, %dma_wait3A_895, %multiple_of3A_640, %dma_wait3A_902] : memref<1x1x4096x4096xf32, #tpu.memory_space<hbm>> -> memref<1x1x8x4096xf32, #tpu.memory_space<hbm>>
    %dma_wait3A_904 = tpu.memref_squeeze %dma_wait3A_903 : memref<1x1x8x4096xf32, #tpu.memory_space<hbm>> -> memref<8x4096xf32, #tpu.memory_space<hbm>>
    %dma_wait3A_905 = arith.constant 0 : i32
    %dma_wait3A_906 = arith.constant 80 : i32
    %dma_wait3A_907 = tpu.memref_slice %arg5[%dma_wait3A_905, %dma_wait3A_906] : memref<8x4224xf32, #tpu.memory_space<vmem>> -> memref<8x4096xf32, #tpu.memory_space<vmem>>
    tpu.wait_dma2 semaphore(%arg6 : memref<!tpu.dma_semaphore, #tpu.memory_space<semaphore_mem>>) src(%dma_wait3A_907 : memref<8x4096xf32, #tpu.memory_space<vmem>>) dst(%dma_wait3A_904 : memref<8x4096xf32, #tpu.memory_space<hbm>>)
    %dma_wait3A_908 = arith.constant 0 : i32
    %dma_wait3A_909 = arith.constant 0 : i32
    %dma_wait3A_910 = arith.constant 0 : i32
    %dma_wait3A_911 = arith.constant 72 : i32
    %dma_wait3A_912 = tpu.memref_slice %arg5[%dma_wait3A_910, %dma_wait3A_911] : memref<8x4224xf32, #tpu.memory_space<vmem>> -> memref<8x4096xf32, #tpu.memory_space<vmem>>
    %dma_wait3A_913 = arith.constant 0 : i32
    %dma_wait3A_914 = tpu.memref_slice %arg3[%dma_wait3A_908, %dma_wait3A_909, %multiple_of3A_657, %dma_wait3A_913] : memref<1x1x4096x4096xf32, #tpu.memory_space<hbm>> -> memref<1x1x8x4096xf32, #tpu.memory_space<hbm>>
    %dma_wait3A_915 = tpu.memref_squeeze %dma_wait3A_914 : memref<1x1x8x4096xf32, #tpu.memory_space<hbm>> -> memref<8x4096xf32, #tpu.memory_space<hbm>>
    %dma_wait3A_916 = arith.constant 0 : i32
    %dma_wait3A_917 = tpu.memref_slice %arg3[%dma_wait3A_908, %dma_wait3A_909, %multiple_of3A_657, %dma_wait3A_916] : memref<1x1x4096x4096xf32, #tpu.memory_space<hbm>> -> memref<1x1x8x4096xf32, #tpu.memory_space<hbm>>
    %dma_wait3A_918 = tpu.memref_squeeze %dma_wait3A_917 : memref<1x1x8x4096xf32, #tpu.memory_space<hbm>> -> memref<8x4096xf32, #tpu.memory_space<hbm>>
    %dma_wait3A_919 = arith.constant 0 : i32
    %dma_wait3A_920 = arith.constant 72 : i32
    %dma_wait3A_921 = tpu.memref_slice %arg5[%dma_wait3A_919, %dma_wait3A_920] : memref<8x4224xf32, #tpu.memory_space<vmem>> -> memref<8x4096xf32, #tpu.memory_space<vmem>>
    tpu.wait_dma2 semaphore(%arg6 : memref<!tpu.dma_semaphore, #tpu.memory_space<semaphore_mem>>) src(%dma_wait3A_921 : memref<8x4096xf32, #tpu.memory_space<vmem>>) dst(%dma_wait3A_918 : memref<8x4096xf32, #tpu.memory_space<hbm>>)
    %dma_wait3A_922 = arith.constant 0 : i32
    %dma_wait3A_923 = arith.constant 0 : i32
    %dma_wait3A_924 = arith.constant 0 : i32
    %dma_wait3A_925 = arith.constant 64 : i32
    %dma_wait3A_926 = tpu.memref_slice %arg5[%dma_wait3A_924, %dma_wait3A_925] : memref<8x4224xf32, #tpu.memory_space<vmem>> -> memref<8x4096xf32, #tpu.memory_space<vmem>>
    %dma_wait3A_927 = arith.constant 0 : i32
    %dma_wait3A_928 = tpu.memref_slice %arg3[%dma_wait3A_922, %dma_wait3A_923, %multiple_of3A_674, %dma_wait3A_927] : memref<1x1x4096x4096xf32, #tpu.memory_space<hbm>> -> memref<1x1x8x4096xf32, #tpu.memory_space<hbm>>
    %dma_wait3A_929 = tpu.memref_squeeze %dma_wait3A_928 : memref<1x1x8x4096xf32, #tpu.memory_space<hbm>> -> memref<8x4096xf32, #tpu.memory_space<hbm>>
    %dma_wait3A_930 = arith.constant 0 : i32
    %dma_wait3A_931 = tpu.memref_slice %arg3[%dma_wait3A_922, %dma_wait3A_923, %multiple_of3A_674, %dma_wait3A_930] : memref<1x1x4096x4096xf32, #tpu.memory_space<hbm>> -> memref<1x1x8x4096xf32, #tpu.memory_space<hbm>>
    %dma_wait3A_932 = tpu.memref_squeeze %dma_wait3A_931 : memref<1x1x8x4096xf32, #tpu.memory_space<hbm>> -> memref<8x4096xf32, #tpu.memory_space<hbm>>
    %dma_wait3A_933 = arith.constant 0 : i32
    %dma_wait3A_934 = arith.constant 64 : i32
    %dma_wait3A_935 = tpu.memref_slice %arg5[%dma_wait3A_933, %dma_wait3A_934] : memref<8x4224xf32, #tpu.memory_space<vmem>> -> memref<8x4096xf32, #tpu.memory_space<vmem>>
    tpu.wait_dma2 semaphore(%arg6 : memref<!tpu.dma_semaphore, #tpu.memory_space<semaphore_mem>>) src(%dma_wait3A_935 : memref<8x4096xf32, #tpu.memory_space<vmem>>) dst(%dma_wait3A_932 : memref<8x4096xf32, #tpu.memory_space<hbm>>)
    %dma_wait3A_936 = arith.constant 0 : i32
    %dma_wait3A_937 = arith.constant 0 : i32
    %dma_wait3A_938 = arith.constant 0 : i32
    %dma_wait3A_939 = arith.constant 56 : i32
    %dma_wait3A_940 = tpu.memref_slice %arg5[%dma_wait3A_938, %dma_wait3A_939] : memref<8x4224xf32, #tpu.memory_space<vmem>> -> memref<8x4096xf32, #tpu.memory_space<vmem>>
    %dma_wait3A_941 = arith.constant 0 : i32
    %dma_wait3A_942 = tpu.memref_slice %arg3[%dma_wait3A_936, %dma_wait3A_937, %multiple_of3A_691, %dma_wait3A_941] : memref<1x1x4096x4096xf32, #tpu.memory_space<hbm>> -> memref<1x1x8x4096xf32, #tpu.memory_space<hbm>>
    %dma_wait3A_943 = tpu.memref_squeeze %dma_wait3A_942 : memref<1x1x8x4096xf32, #tpu.memory_space<hbm>> -> memref<8x4096xf32, #tpu.memory_space<hbm>>
    %dma_wait3A_944 = arith.constant 0 : i32
    %dma_wait3A_945 = tpu.memref_slice %arg3[%dma_wait3A_936, %dma_wait3A_937, %multiple_of3A_691, %dma_wait3A_944] : memref<1x1x4096x4096xf32, #tpu.memory_space<hbm>> -> memref<1x1x8x4096xf32, #tpu.memory_space<hbm>>
    %dma_wait3A_946 = tpu.memref_squeeze %dma_wait3A_945 : memref<1x1x8x4096xf32, #tpu.memory_space<hbm>> -> memref<8x4096xf32, #tpu.memory_space<hbm>>
    %dma_wait3A_947 = arith.constant 0 : i32
    %dma_wait3A_948 = arith.constant 56 : i32
    %dma_wait3A_949 = tpu.memref_slice %arg5[%dma_wait3A_947, %dma_wait3A_948] : memref<8x4224xf32, #tpu.memory_space<vmem>> -> memref<8x4096xf32, #tpu.memory_space<vmem>>
    tpu.wait_dma2 semaphore(%arg6 : memref<!tpu.dma_semaphore, #tpu.memory_space<semaphore_mem>>) src(%dma_wait3A_949 : memref<8x4096xf32, #tpu.memory_space<vmem>>) dst(%dma_wait3A_946 : memref<8x4096xf32, #tpu.memory_space<hbm>>)
    %dma_wait3A_950 = arith.constant 0 : i32
    %dma_wait3A_951 = arith.constant 0 : i32
    %dma_wait3A_952 = arith.constant 0 : i32
    %dma_wait3A_953 = arith.constant 48 : i32
    %dma_wait3A_954 = tpu.memref_slice %arg5[%dma_wait3A_952, %dma_wait3A_953] : memref<8x4224xf32, #tpu.memory_space<vmem>> -> memref<8x4096xf32, #tpu.memory_space<vmem>>
    %dma_wait3A_955 = arith.constant 0 : i32
    %dma_wait3A_956 = tpu.memref_slice %arg3[%dma_wait3A_950, %dma_wait3A_951, %multiple_of3A_708, %dma_wait3A_955] : memref<1x1x4096x4096xf32, #tpu.memory_space<hbm>> -> memref<1x1x8x4096xf32, #tpu.memory_space<hbm>>
    %dma_wait3A_957 = tpu.memref_squeeze %dma_wait3A_956 : memref<1x1x8x4096xf32, #tpu.memory_space<hbm>> -> memref<8x4096xf32, #tpu.memory_space<hbm>>
    %dma_wait3A_958 = arith.constant 0 : i32
    %dma_wait3A_959 = tpu.memref_slice %arg3[%dma_wait3A_950, %dma_wait3A_951, %multiple_of3A_708, %dma_wait3A_958] : memref<1x1x4096x4096xf32, #tpu.memory_space<hbm>> -> memref<1x1x8x4096xf32, #tpu.memory_space<hbm>>
    %dma_wait3A_960 = tpu.memref_squeeze %dma_wait3A_959 : memref<1x1x8x4096xf32, #tpu.memory_space<hbm>> -> memref<8x4096xf32, #tpu.memory_space<hbm>>
    %dma_wait3A_961 = arith.constant 0 : i32
    %dma_wait3A_962 = arith.constant 48 : i32
    %dma_wait3A_963 = tpu.memref_slice %arg5[%dma_wait3A_961, %dma_wait3A_962] : memref<8x4224xf32, #tpu.memory_space<vmem>> -> memref<8x4096xf32, #tpu.memory_space<vmem>>
    tpu.wait_dma2 semaphore(%arg6 : memref<!tpu.dma_semaphore, #tpu.memory_space<semaphore_mem>>) src(%dma_wait3A_963 : memref<8x4096xf32, #tpu.memory_space<vmem>>) dst(%dma_wait3A_960 : memref<8x4096xf32, #tpu.memory_space<hbm>>)
    %dma_wait3A_964 = arith.constant 0 : i32
    %dma_wait3A_965 = arith.constant 0 : i32
    %dma_wait3A_966 = arith.constant 0 : i32
    %dma_wait3A_967 = arith.constant 40 : i32
    %dma_wait3A_968 = tpu.memref_slice %arg5[%dma_wait3A_966, %dma_wait3A_967] : memref<8x4224xf32, #tpu.memory_space<vmem>> -> memref<8x4096xf32, #tpu.memory_space<vmem>>
    %dma_wait3A_969 = arith.constant 0 : i32
    %dma_wait3A_970 = tpu.memref_slice %arg3[%dma_wait3A_964, %dma_wait3A_965, %multiple_of3A_725, %dma_wait3A_969] : memref<1x1x4096x4096xf32, #tpu.memory_space<hbm>> -> memref<1x1x8x4096xf32, #tpu.memory_space<hbm>>
    %dma_wait3A_971 = tpu.memref_squeeze %dma_wait3A_970 : memref<1x1x8x4096xf32, #tpu.memory_space<hbm>> -> memref<8x4096xf32, #tpu.memory_space<hbm>>
    %dma_wait3A_972 = arith.constant 0 : i32
    %dma_wait3A_973 = tpu.memref_slice %arg3[%dma_wait3A_964, %dma_wait3A_965, %multiple_of3A_725, %dma_wait3A_972] : memref<1x1x4096x4096xf32, #tpu.memory_space<hbm>> -> memref<1x1x8x4096xf32, #tpu.memory_space<hbm>>
    %dma_wait3A_974 = tpu.memref_squeeze %dma_wait3A_973 : memref<1x1x8x4096xf32, #tpu.memory_space<hbm>> -> memref<8x4096xf32, #tpu.memory_space<hbm>>
    %dma_wait3A_975 = arith.constant 0 : i32
    %dma_wait3A_976 = arith.constant 40 : i32
    %dma_wait3A_977 = tpu.memref_slice %arg5[%dma_wait3A_975, %dma_wait3A_976] : memref<8x4224xf32, #tpu.memory_space<vmem>> -> memref<8x4096xf32, #tpu.memory_space<vmem>>
    tpu.wait_dma2 semaphore(%arg6 : memref<!tpu.dma_semaphore, #tpu.memory_space<semaphore_mem>>) src(%dma_wait3A_977 : memref<8x4096xf32, #tpu.memory_space<vmem>>) dst(%dma_wait3A_974 : memref<8x4096xf32, #tpu.memory_space<hbm>>)
    %dma_wait3A_978 = arith.constant 0 : i32
    %dma_wait3A_979 = arith.constant 0 : i32
    %dma_wait3A_980 = arith.constant 0 : i32
    %dma_wait3A_981 = arith.constant 32 : i32
    %dma_wait3A_982 = tpu.memref_slice %arg5[%dma_wait3A_980, %dma_wait3A_981] : memref<8x4224xf32, #tpu.memory_space<vmem>> -> memref<8x4096xf32, #tpu.memory_space<vmem>>
    %dma_wait3A_983 = arith.constant 0 : i32
    %dma_wait3A_984 = tpu.memref_slice %arg3[%dma_wait3A_978, %dma_wait3A_979, %multiple_of3A_742, %dma_wait3A_983] : memref<1x1x4096x4096xf32, #tpu.memory_space<hbm>> -> memref<1x1x8x4096xf32, #tpu.memory_space<hbm>>
    %dma_wait3A_985 = tpu.memref_squeeze %dma_wait3A_984 : memref<1x1x8x4096xf32, #tpu.memory_space<hbm>> -> memref<8x4096xf32, #tpu.memory_space<hbm>>
    %dma_wait3A_986 = arith.constant 0 : i32
    %dma_wait3A_987 = tpu.memref_slice %arg3[%dma_wait3A_978, %dma_wait3A_979, %multiple_of3A_742, %dma_wait3A_986] : memref<1x1x4096x4096xf32, #tpu.memory_space<hbm>> -> memref<1x1x8x4096xf32, #tpu.memory_space<hbm>>
    %dma_wait3A_988 = tpu.memref_squeeze %dma_wait3A_987 : memref<1x1x8x4096xf32, #tpu.memory_space<hbm>> -> memref<8x4096xf32, #tpu.memory_space<hbm>>
    %dma_wait3A_989 = arith.constant 0 : i32
    %dma_wait3A_990 = arith.constant 32 : i32
    %dma_wait3A_991 = tpu.memref_slice %arg5[%dma_wait3A_989, %dma_wait3A_990] : memref<8x4224xf32, #tpu.memory_space<vmem>> -> memref<8x4096xf32, #tpu.memory_space<vmem>>
    tpu.wait_dma2 semaphore(%arg6 : memref<!tpu.dma_semaphore, #tpu.memory_space<semaphore_mem>>) src(%dma_wait3A_991 : memref<8x4096xf32, #tpu.memory_space<vmem>>) dst(%dma_wait3A_988 : memref<8x4096xf32, #tpu.memory_space<hbm>>)
    %dma_wait3A_992 = arith.constant 0 : i32
    %dma_wait3A_993 = arith.constant 0 : i32
    %dma_wait3A_994 = arith.constant 0 : i32
    %dma_wait3A_995 = arith.constant 24 : i32
    %dma_wait3A_996 = tpu.memref_slice %arg5[%dma_wait3A_994, %dma_wait3A_995] : memref<8x4224xf32, #tpu.memory_space<vmem>> -> memref<8x4096xf32, #tpu.memory_space<vmem>>
    %dma_wait3A_997 = arith.constant 0 : i32
    %dma_wait3A_998 = tpu.memref_slice %arg3[%dma_wait3A_992, %dma_wait3A_993, %multiple_of3A_759, %dma_wait3A_997] : memref<1x1x4096x4096xf32, #tpu.memory_space<hbm>> -> memref<1x1x8x4096xf32, #tpu.memory_space<hbm>>
    %dma_wait3A_999 = tpu.memref_squeeze %dma_wait3A_998 : memref<1x1x8x4096xf32, #tpu.memory_space<hbm>> -> memref<8x4096xf32, #tpu.memory_space<hbm>>
    %dma_wait3A_1000 = arith.constant 0 : i32
    %dma_wait3A_1001 = tpu.memref_slice %arg3[%dma_wait3A_992, %dma_wait3A_993, %multiple_of3A_759, %dma_wait3A_1000] : memref<1x1x4096x4096xf32, #tpu.memory_space<hbm>> -> memref<1x1x8x4096xf32, #tpu.memory_space<hbm>>
    %dma_wait3A_1002 = tpu.memref_squeeze %dma_wait3A_1001 : memref<1x1x8x4096xf32, #tpu.memory_space<hbm>> -> memref<8x4096xf32, #tpu.memory_space<hbm>>
    %dma_wait3A_1003 = arith.constant 0 : i32
    %dma_wait3A_1004 = arith.constant 24 : i32
    %dma_wait3A_1005 = tpu.memref_slice %arg5[%dma_wait3A_1003, %dma_wait3A_1004] : memref<8x4224xf32, #tpu.memory_space<vmem>> -> memref<8x4096xf32, #tpu.memory_space<vmem>>
    tpu.wait_dma2 semaphore(%arg6 : memref<!tpu.dma_semaphore, #tpu.memory_space<semaphore_mem>>) src(%dma_wait3A_1005 : memref<8x4096xf32, #tpu.memory_space<vmem>>) dst(%dma_wait3A_1002 : memref<8x4096xf32, #tpu.memory_space<hbm>>)
    %dma_wait3A_1006 = arith.constant 0 : i32
    %dma_wait3A_1007 = arith.constant 0 : i32
    %dma_wait3A_1008 = arith.constant 0 : i32
    %dma_wait3A_1009 = arith.constant 16 : i32
    %dma_wait3A_1010 = tpu.memref_slice %arg5[%dma_wait3A_1008, %dma_wait3A_1009] : memref<8x4224xf32, #tpu.memory_space<vmem>> -> memref<8x4096xf32, #tpu.memory_space<vmem>>
    %dma_wait3A_1011 = arith.constant 0 : i32
    %dma_wait3A_1012 = tpu.memref_slice %arg3[%dma_wait3A_1006, %dma_wait3A_1007, %multiple_of3A_776, %dma_wait3A_1011] : memref<1x1x4096x4096xf32, #tpu.memory_space<hbm>> -> memref<1x1x8x4096xf32, #tpu.memory_space<hbm>>
    %dma_wait3A_1013 = tpu.memref_squeeze %dma_wait3A_1012 : memref<1x1x8x4096xf32, #tpu.memory_space<hbm>> -> memref<8x4096xf32, #tpu.memory_space<hbm>>
    %dma_wait3A_1014 = arith.constant 0 : i32
    %dma_wait3A_1015 = tpu.memref_slice %arg3[%dma_wait3A_1006, %dma_wait3A_1007, %multiple_of3A_776, %dma_wait3A_1014] : memref<1x1x4096x4096xf32, #tpu.memory_space<hbm>> -> memref<1x1x8x4096xf32, #tpu.memory_space<hbm>>
    %dma_wait3A_1016 = tpu.memref_squeeze %dma_wait3A_1015 : memref<1x1x8x4096xf32, #tpu.memory_space<hbm>> -> memref<8x4096xf32, #tpu.memory_space<hbm>>
    %dma_wait3A_1017 = arith.constant 0 : i32
    %dma_wait3A_1018 = arith.constant 16 : i32
    %dma_wait3A_1019 = tpu.memref_slice %arg5[%dma_wait3A_1017, %dma_wait3A_1018] : memref<8x4224xf32, #tpu.memory_space<vmem>> -> memref<8x4096xf32, #tpu.memory_space<vmem>>
    tpu.wait_dma2 semaphore(%arg6 : memref<!tpu.dma_semaphore, #tpu.memory_space<semaphore_mem>>) src(%dma_wait3A_1019 : memref<8x4096xf32, #tpu.memory_space<vmem>>) dst(%dma_wait3A_1016 : memref<8x4096xf32, #tpu.memory_space<hbm>>)
    %dma_wait3A_1020 = arith.constant 0 : i32
    %dma_wait3A_1021 = arith.constant 0 : i32
    %dma_wait3A_1022 = arith.constant 0 : i32
    %dma_wait3A_1023 = arith.constant 8 : i32
    %dma_wait3A_1024 = tpu.memref_slice %arg5[%dma_wait3A_1022, %dma_wait3A_1023] : memref<8x4224xf32, #tpu.memory_space<vmem>> -> memref<8x4096xf32, #tpu.memory_space<vmem>>
    %dma_wait3A_1025 = arith.constant 0 : i32
    %dma_wait3A_1026 = tpu.memref_slice %arg3[%dma_wait3A_1020, %dma_wait3A_1021, %multiple_of3A_793, %dma_wait3A_1025] : memref<1x1x4096x4096xf32, #tpu.memory_space<hbm>> -> memref<1x1x8x4096xf32, #tpu.memory_space<hbm>>
    %dma_wait3A_1027 = tpu.memref_squeeze %dma_wait3A_1026 : memref<1x1x8x4096xf32, #tpu.memory_space<hbm>> -> memref<8x4096xf32, #tpu.memory_space<hbm>>
    %dma_wait3A_1028 = arith.constant 0 : i32
    %dma_wait3A_1029 = tpu.memref_slice %arg3[%dma_wait3A_1020, %dma_wait3A_1021, %multiple_of3A_793, %dma_wait3A_1028] : memref<1x1x4096x4096xf32, #tpu.memory_space<hbm>> -> memref<1x1x8x4096xf32, #tpu.memory_space<hbm>>
    %dma_wait3A_1030 = tpu.memref_squeeze %dma_wait3A_1029 : memref<1x1x8x4096xf32, #tpu.memory_space<hbm>> -> memref<8x4096xf32, #tpu.memory_space<hbm>>
    %dma_wait3A_1031 = arith.constant 0 : i32
    %dma_wait3A_1032 = arith.constant 8 : i32
    %dma_wait3A_1033 = tpu.memref_slice %arg5[%dma_wait3A_1031, %dma_wait3A_1032] : memref<8x4224xf32, #tpu.memory_space<vmem>> -> memref<8x4096xf32, #tpu.memory_space<vmem>>
    tpu.wait_dma2 semaphore(%arg6 : memref<!tpu.dma_semaphore, #tpu.memory_space<semaphore_mem>>) src(%dma_wait3A_1033 : memref<8x4096xf32, #tpu.memory_space<vmem>>) dst(%dma_wait3A_1030 : memref<8x4096xf32, #tpu.memory_space<hbm>>)
    %dma_wait3A_1034 = arith.constant 0 : i32
    %dma_wait3A_1035 = arith.constant 0 : i32
    %dma_wait3A_1036 = arith.constant 0 : i32
    %dma_wait3A_1037 = arith.constant 0 : i32
    %dma_wait3A_1038 = tpu.memref_slice %arg5[%dma_wait3A_1036, %dma_wait3A_1037] : memref<8x4224xf32, #tpu.memory_space<vmem>> -> memref<8x4096xf32, #tpu.memory_space<vmem>>
    %dma_wait3A_1039 = arith.constant 0 : i32
    %dma_wait3A_1040 = tpu.memref_slice %arg3[%dma_wait3A_1034, %dma_wait3A_1035, %multiple_of3A_810, %dma_wait3A_1039] : memref<1x1x4096x4096xf32, #tpu.memory_space<hbm>> -> memref<1x1x8x4096xf32, #tpu.memory_space<hbm>>
    %dma_wait3A_1041 = tpu.memref_squeeze %dma_wait3A_1040 : memref<1x1x8x4096xf32, #tpu.memory_space<hbm>> -> memref<8x4096xf32, #tpu.memory_space<hbm>>
    %dma_wait3A_1042 = arith.constant 0 : i32
    %dma_wait3A_1043 = tpu.memref_slice %arg3[%dma_wait3A_1034, %dma_wait3A_1035, %multiple_of3A_810, %dma_wait3A_1042] : memref<1x1x4096x4096xf32, #tpu.memory_space<hbm>> -> memref<1x1x8x4096xf32, #tpu.memory_space<hbm>>
    %dma_wait3A_1044 = tpu.memref_squeeze %dma_wait3A_1043 : memref<1x1x8x4096xf32, #tpu.memory_space<hbm>> -> memref<8x4096xf32, #tpu.memory_space<hbm>>
    %dma_wait3A_1045 = arith.constant 0 : i32
    %dma_wait3A_1046 = arith.constant 0 : i32
    %dma_wait3A_1047 = tpu.memref_slice %arg5[%dma_wait3A_1045, %dma_wait3A_1046] : memref<8x4224xf32, #tpu.memory_space<vmem>> -> memref<8x4096xf32, #tpu.memory_space<vmem>>
    tpu.wait_dma2 semaphore(%arg6 : memref<!tpu.dma_semaphore, #tpu.memory_space<semaphore_mem>>) src(%dma_wait3A_1047 : memref<8x4096xf32, #tpu.memory_space<vmem>>) dst(%dma_wait3A_1044 : memref<8x4096xf32, #tpu.memory_space<hbm>>)
    return
  }
}

</mosaic_0001>

<sc_bundles>
// kernel: kernel.3.cloned.1.call-start
scs
__scs_entry_jumppad:
0x0: {  	(pc) =	sbr.rel $0x88, $3  }
0x1: {  	(tag) =	ssettag $0x0;
	lr =	simm.s32 $0x1  }
0x2: {  	[smem:$0x3FA0] =	sst lr;
	_ =	strace $0xD0000000  }
0x3: {  	_ = 	snop  }
0x4: {  	_ = 	snop  }
0x5: {  	_ = 	snop  }
0x6: {  	_ = 	snop  }
0x7: {  	_ = 	snop  }
__scs_overlays_trampoline_lowered:
0x8: {  	[smem:$0x3FAF] =	sst s0  }
0x9: {  	[smem:$0x3FB0] =	sst s1  }
0xa: {  	[smem:$0x3FB1] =	sst s2  }
0xb: {  	[smem:$0x3FB2] =	sst s3  }
0xc: {  	[smem:$0x3FB3] =	sst s4  }
0xd: {  	[smem:$0x3FB4] =	sst s5  }
0xe: {  	[smem:$0x3FB5] =	sst s6  }
0xf: {  	[smem:$0x3FB6] =	sst s7  }
0x10: {  	[smem:$0x3FB7] =	sst s8  }
0x11: {  	[smem:$0x3FB8] =	sst s9;
	s0 =	simm.s32 @!p0 $0x0  }
0x12: {  	s1 =	sld [smem:$0x3F9E];
	s0 =	simm.s32 @p0 $0x1  }
0x13: {  	[smem:$0x3FB9] =	sst s0;
	s0 =	simm.s32 @!p1 $0x0  }
0x14: {  	s2 =	sld [smem:$0x3F9D];
	s0 =	simm.s32 @p1 $0x1  }
0x15: {  	[smem:$0x3FBA] =	sst s0;
	s0 =	simm.s32 @!p2 $0x0  }
0x16: {  	s3 =	sld [smem:$0x3FDB];
	s0 =	simm.s32 @p2 $0x1  }
0x17: {  	s4 =	simm.s32 $0x1BF5;
	[smem:$0x3FBC] =	sst s0  }
0x18: {  	s0 =	sld [smem:$0x3F9F];
	_ =	swait.ge [sflag:s4], $0x0  }
0x19: {  	s7 =	sld [smem:$0x3FA0]  }
0x1a: {  	s8 =	sadd.s32 $0xFFFFE003, lr  }
0x1b: {  	s9 =	sadd.s32 $0xFFFFFEF7, lr;
	s5 =	simm.s32 $0xFFFFFFFF;
	p2 =	slt.u32 s8, $0xFFFFF086  }
0x1c: {  	p1 =	slt.u32 s9, $0xF7A;
	s5 =	simm.s32 @!p2 $0x0  }
0x1d: {  	s5 =	simm.s32 @p1 $0x1;
	p0 =	seq.s32 s7, s2  }
0x1e: {  	s7 =	smul.u32 @!p0 $0xF7A, s2;
	p2 =	seq.s32 @!p0 s5, $0x0  }
0x1f: {  	s9 =	smul.u32 $0xF7A, s1;
	s8 =	simm.s32 @!p0 $0x1BF5;
	p2 =	por !p2, p0  }
0x20: {  	[sflag:s8] =	ssyncset.s32 @!p0 $0xFFFFF086;
	s6 =	sadd.s32 @!p0 s3, s7;
	s7 =	simm.s32 @!p0 $0x108  }
0x21: {  	s3 =	sadd.s32 s3, s9;
	s6 =	sadd.s32 @!p0 $0x88, s6;
	s7 =	simm.s32 @p2 $0x1082  }
0x22: {  	[simem:s7], [sflag:s8] =	dma.local @!p0 [hbm:s6], $0xF7A  }
0x23: {  	s9 =	sor.u32 $0xD0000000, s2;
	s6 =	simm.s32 $0x108;
	_ =	swait.ge @!p0 [sflag:s8], $0x0  }
0x24: {  	s3 =	sadd.s32 $0x88, s3;
	s6 =	simm.s32 @!p1 $0x1082;
	[sflag:s4] =	ssyncset.s32 $0xFFFFF086  }
0x25: {  	[simem:s6], [sflag:s4] =	dma.local [hbm:s3], $0xF7A  }
0x26: {  	[smem:$0x3FA0] =	sst s1;
	(tag) =	ssettag s2;
	_ =	strace s9  }
0x27: {  	s1 =	sld [smem:$0x3FB0]  }
0x28: {  	s2 =	sld [smem:$0x3FB1]  }
0x29: {  	s4 =	sld [smem:$0x3FB3]  }
0x2a: {  	p0 =	seq.s32 s5, $0x0;
	s5 =	sld [smem:$0x3FB4]  }
0x2b: {  	s6 =	sld [smem:$0x3FB5]  }
0x2c: {  	s7 =	sld [smem:$0x3FB6]  }
0x2d: {  	s3 =	simm.s32 $0x108;
	s8 =	sld [smem:$0x3FB7]  }
0x2e: {  	s3 =	simm.s32 @!p0 $0x1082;
	s9 =	sld [smem:$0x3FB8]  }
0x2f: {  	lr =	sadd.s32 s0, s3;
	s0 =	sld [smem:$0x3FAF]  }
0x30: {  	s3 =	sld [smem:$0x3FB2]  }
0x31: {  	[smem:$0x3FBB] =	sst s10  }
0x32: {  	s10 =	sld [smem:$0x3FB9];
	_ =	sdelay $0x3  }
0x33: {  	p0 =	seq.s32 s10, $0x1;
	s10 =	sld [smem:$0x3FBB];
	_ =	sdelay $0x3  }
0x34: {  	[smem:$0x3FBB] =	sst s10  }
0x35: {  	s10 =	sld [smem:$0x3FBA];
	_ =	sdelay $0x3  }
0x36: {  	p1 =	seq.s32 s10, $0x1;
	s10 =	sld [smem:$0x3FBB];
	_ =	sdelay $0x3  }
0x37: {  	[smem:$0x3FBB] =	sst s10  }
0x38: {  	s10 =	sld [smem:$0x3FBC]  }
0x39: {  	_ = 	snop;
	(pc) =	sbr.ind lr, $3  }
0x3a: {  	_ = 	snop  }
0x3b: {  	_ = 	snop  }
0x3c: {  	p2 =	seq.s32 s10, $0x1;
	s10 =	sld [smem:$0x3FBB]  }
0x3d: {  	_ =	shalt  }
0x3e: {  	_ =	shalt  }
0x3f: {  	_ =	shalt  }
0x40: {  	_ =	shalt  }
0x41: {  	_ =	shalt  }
0x42: {  	_ =	shalt  }
0x43: {  	_ =	shalt  }
0x44: {  	_ =	shalt  }
0x45: {  	_ =	shalt  }
0x46: {  	_ =	shalt  }
0x47: {  	_ =	shalt  }
0x48: {  	_ =	shalt  }
0x49: {  	_ =	shalt  }
0x4a: {  	_ =	shalt  }
0x4b: {  	_ =	shalt  }
0x4c: {  	_ =	shalt  }
0x4d: {  	_ =	shalt  }
0x4e: {  	_ =	shalt  }
0x4f: {  	_ =	shalt  }
0x50: {  	_ =	shalt  }
0x51: {  	_ =	shalt  }
0x52: {  	_ =	shalt  }
0x53: {  	_ =	shalt  }
0x54: {  	_ =	shalt  }
0x55: {  	_ =	shalt  }
0x56: {  	_ =	shalt  }
0x57: {  	_ =	shalt  }
0x58: {  	_ =	shalt  }
0x59: {  	_ =	shalt  }
0x5a: {  	_ =	shalt  }
0x5b: {  	_ =	shalt  }
0x5c: {  	_ =	shalt  }
0x5d: {  	_ =	shalt  }
0x5e: {  	_ =	shalt  }
0x5f: {  	_ =	shalt  }
0x60: {  	_ =	shalt  }
0x61: {  	_ =	shalt  }
0x62: {  	_ =	shalt  }
0x63: {  	_ =	shalt  }
0x64: {  	_ =	shalt  }
0x65: {  	_ =	shalt  }
0x66: {  	_ =	shalt  }
0x67: {  	_ =	shalt  }
0x68: {  	_ =	shalt  }
0x69: {  	_ =	shalt  }
0x6a: {  	_ =	shalt  }
0x6b: {  	_ =	shalt  }
0x6c: {  	_ =	shalt  }
0x6d: {  	_ =	shalt  }
0x6e: {  	_ =	shalt  }
0x6f: {  	_ =	shalt  }
0x70: {  	_ =	shalt  }
0x71: {  	_ =	shalt  }
0x72: {  	_ =	shalt  }
0x73: {  	_ =	shalt  }
0x74: {  	_ =	shalt  }
0x75: {  	_ =	shalt  }
0x76: {  	_ =	shalt  }
0x77: {  	_ =	shalt  }
0x78: {  	_ =	shalt  }
0x79: {  	_ =	shalt  }
0x7a: {  	_ =	shalt  }
0x7b: {  	_ =	shalt  }
0x7c: {  	_ =	shalt  }
0x7d: {  	_ =	shalt  }
0x7e: {  	_ =	shalt  }
0x7f: {  	_ =	shalt  }
0x80: {  	_ =	shalt  }
0x81: {  	_ =	shalt  }
0x82: {  	_ =	shalt  }
0x83: {  	_ =	shalt  }
0x84: {  	_ =	shalt  }
0x85: {  	_ =	shalt  }
0x86: {  	_ =	shalt  }
0x87: {  	_ =	shalt  }
.Lfunc_end0:
.L_simem_size_0:
called_computation_lowered:
.L_overlay_start_0:
0x88: {  	s2 =	sld [smem:$0x3FD9]  }
0x89: {  	s3 =	sld [smem:$0x3FFE];
	_ =	sdelay $0x1  }
0x8a: {  	s1 =	srdreg.scid  }
0x8b: {  	s0 =	sand.u32 $0x1, s1  }
0x8c: {  	s17 =	sshll.u32 s0, $0xA;
	s2 =	sadd.s32 s3, s2  }
0x8d: {  	s2 =	sadd.s32 s2, s17  }
0x8e: {  	[smem:$0x3FC7] =	sst s2  }
0x8f: {  	_ = 	snop  }
0x90: {  	s2 =	sld [smem:$0x3FD0];
	(tm) =	ssettm $0x1  }
0x91: {  	s18 =	sld [smem:$0x3FFB];
	_ =	sdelay $0x3  }
0x92: {  	_ =	strace s18  }
0x93: {  	s3 =	sld [smem:$0x3FFC];
	_ =	sdelay $0x3  }
0x94: {  	_ =	strace s3  }
0x95: {  	s3 =	sld [smem:$0x3FFD];
	_ =	sdelay $0x3  }
0x96: {  	_ =	strace s3  }
0x97: {  	_ =	strace $0x8FFFFFFF  }
0x98: {  	s19 =	sld [smem:$0x3FDB];
	_ =	sdelay $0x1  }
0x99: {  	s4 =	simm.s32 $_scs_section_size  }
0x9a: {  	s5 =	simm.s32 $_size__tile_overlayer_lowered;
	s6 =	simm.s32 $_tile_overlayer_lowered  }
0x9b: {  	s22 =	simm.s32 $0x1BFF;
	s21 =	sshll.u32 s6, $0x1;
	s3 =	sadd.s32 s4, s19  }
0x9c: {  	s7 =	simm.s32 $0x0;
	s20 =	sshll.u32 s5, $0x1;
	s5 =	sadd.s32 s21, s3  }
0x9d: {  	[timem:s7], [sflag:s22] =	dma.local [hbm:s5], s20  }
0x9e: {  	_ =	swait.ge [sflag:s22], s20  }
0x9f: {  	s4 =	ssub.s32 $0x0, s20;
	[sflag:s22] =	ssyncset.done $0x0  }
0xa0: {  	[sflag:s22] =	ssyncadd.s32 s4;
	_ =	sdelay $0x1  }
0xa1: {  	s23 =	simm.s32 $0x1B8B  }
0xa2: {  	_ =	swait.ge [sflag:s23], $0x1  }
0xa3: {  	[sflag:s23] =	ssyncset.done $0x0  }
0xa4: {  	s25 =	simm.s32 $0x1B8E;
	s24 =	sld [smem:$0x3FFE];
	[sflag:s23] =	ssyncadd.s32 $0xFFFFFFFF  }
0xa5: {  	s26 =	simm.s32 $execute0_lowered;
	[smem:$0x3FD2] =	sst s25  }
0xa6: {  	s5 =	sshll.u32 s26, $0x1;
	_ =	strace $0x80000046;
	[dreg:$0x1] =	wrdreg $0xFFFFFFFF  }
0xa7: {  	s28 =	simm.s32 $_size_execute0_lowered;
	s3 =	sadd.s32 s3, s5;
	[dreg:$0x0] =	wrdreg $0x0  }
0xa8: {  	s5 =	sshll.u32 s28, $0x1;
	[dreg:$0x2] =	wrdreg s3  }
0xa9: {  	[dreg:$0x3] =	wrdreg s5  }
0xaa: {  	[dreg:$0x4] =	wrdreg $0xC0  }
0xab: {  	_ =	task [dreg:s7], $0x5FFFF  }
0xac: {  	[dreg:$0x1] =	wrdreg $0xFFFFFFFF  }
0xad: {  	[dreg:$0x0] =	wrdreg $0x60  }
0xae: {  	[dreg:$0x2] =	wrdreg s2  }
0xaf: {  	[dreg:$0x3] =	wrdreg s24  }
0xb0: {  	[dreg:$0x4] =	wrdreg $0x9  }
0xb1: {  	_ =	task.clear_ibuf [dreg:s7], $0x5FFFF;
	_ =	strace $0x90000046  }
0xb2: {  	s29 =	simm.s32 $0x9;
	_ =	strace $0x80000048  }
0xb3: {  	_ =	swait.ge [sflag:s29], $0x1  }
0xb4: {  	[sflag:s29] =	ssyncadd.s32 $0xFFFFFFFF  }
0xb5: {  	_ =	strace $0x90000048  }
0xb6: {  	_ =	sfence  }
0xb7: {  	s30 =	sld [smem:$0x0];
	_ =	sdelay $0x2  }
0xb8: {  	s31 =	sshll.u32 s1, $0xD;
	s1 =	sshrl.u32 s1, $0x2  }
0xb9: {  	s3 =	sand.u32 $0x4000, s31;
	s1 =	sadd.s32 s1, s30  }
0xba: {  	s0 =	sor.u32 s3, s0;
	s1 =	sshll.u32 s1, $0x11  }
0xbb: {  	s0 =	sor.u32 s1, s0  }
0xbc: {  	s0 =	sadd.s32 $0x8F2B, s0  }
0xbd: {  	[sflag:s0] =	ssyncadd.remote.s32 $0x1  }
0xbe: {  	_ =	sfence.sel $0xFFFF  }
0xbf: {  	[dreg:$0x0] =	wrdreg $0xFFFFFFFF;
	(pc) =	sbr.abs _section_cstart, $3  }
0xc0: {  	[dreg:$0x1] =	wrdreg $0xFFFFFFFF  }
0xc1: {  	_ =	task.clear_ibuf [dreg:s7], $0x2FFFF;
	_ =	strace $0x9FFFFFFF  }
0xc2: {  	(tm) =	ssettm $0x7FFFFFFF  }
0xc3: {  	_ =	shalt  }
tec
execute0_lowered:
.L_overlay_start_1:
0x0: {  	(tag) =	ssettag $0x1  }
0x1: {  	s1 =	srdreg.scid  }
0x2: {  	s4 =	stileid.u32;
	s1 =	sand.u32 $0x1, s1  }
0x3: {  	s4 =	sshll.u32 s4, $0x8;
	s2 =	ssub.s32 $0x2, s1;
	s1 =	sshll.u32 s1, $0x7  }
0x4: {  	s0 =	rddreg [dreg:$0x1];
	s3 =	simm.s32 $0x0;
	s8 =	sor.u32 s1, s4  }
0x5: {  	[smem:$0x7FF] =	sst s3;
	s1 =	sor.u32 $0x5F, s8  }
0x6: {  	_ =	strace $0x80000047;
	s12 =	sor.u32 $0x69, s8;
	[smem:$0x7F6] =	sst s1  }
0x7: {  	s13 =	sor.u32 $0x6A, s8;
	[smem:$0x7F7] =	sst s12  }
0x8: {  	s14 =	sor.u32 $0x6B, s8;
	[smem:$0x7F8] =	sst s13  }
0x9: {  	s15 =	sor.u32 $0x6C, s8;
	[smem:$0x7F9] =	sst s14  }
0xa: {  	s16 =	sor.u32 $0x6D, s8;
	[smem:$0x7FA] =	sst s15  }
0xb: {  	s17 =	sor.u32 $0x79, s8;
	[dreg:$0x1d] =	wrdreg s16  }
0xc: {  	s18 =	sor.u32 $0x7A, s8;
	[smem:$0x7FB] =	sst s17  }
0xd: {  	s19 =	sor.u32 $0x7B, s8;
	[smem:$0x7FC] =	sst s18  }
0xe: {  	s20 =	sor.u32 $0x7C, s8;
	[dreg:$0x1e] =	wrdreg s19  }
0xf: {  	s21 =	sor.u32 $0x7D, s8;
	[dreg:$0x1f] =	wrdreg s20  }
0x10: {  	s11 =	sshrl.u32 s2, $0x1;
	s22 =	sor.u32 $0x7E, s8;
	[smem:$0x7FD] =	sst s21  }
0x11: {  	s9 =	ssub.s32 s2, s11;
	s11 =	sor.u32 $0x7F, s8;
	[dreg:$0x1a] =	wrdreg s22  }
0x12: {  	[dreg:$0x1b] =	wrdreg s11;
	s12 =	sadd.s32 $0x88, s8  }
0x13: {  	s13 =	sadd.s32 $0x89, s8;
	[dreg:$0x1c] =	wrdreg s12  }
0x14: {  	s14 =	sadd.s32 $0x8A, s8;
	[dreg:$0x17] =	wrdreg s13  }
0x15: {  	s15 =	sadd.s32 $0x8B, s8;
	[dreg:$0x18] =	wrdreg s14  }
0x16: {  	s16 =	sadd.s32 $0x8C, s8;
	[dreg:$0x19] =	wrdreg s15  }
0x17: {  	s17 =	sadd.s32 $0x8D, s8;
	[dreg:$0x14] =	wrdreg s16  }
0x18: {  	s18 =	sadd.s32 $0x8E, s8;
	[dreg:$0x15] =	wrdreg s17  }
0x19: {  	s19 =	sadd.s32 $0x8F, s8;
	[dreg:$0x16] =	wrdreg s18  }
0x1a: {  	s20 =	sadd.s32 $0x98, s8;
	[dreg:$0x11] =	wrdreg s19  }
0x1b: {  	s21 =	sadd.s32 $0x99, s8;
	[dreg:$0x12] =	wrdreg s20  }
0x1c: {  	s22 =	sadd.s32 $0x9A, s8;
	[dreg:$0x13] =	wrdreg s21  }
0x1d: {  	v46 =	vlaneseq.u32;
	s11 =	sadd.s32 $0x9B, s8;
	[dreg:$0xe] =	wrdreg s22  }
0x1e: {  	v37 =	vor.u32 $0x3180, v46;
	s25 =	sor.u32 $0x5B, s8;
	[dreg:$0xf] =	wrdreg s11  }
0x1f: {  	v38 =	vor.u32 $0x4200, v46;
	s26 =	sor.u32 $0x5C, s8;
	v2 =	vadd.s32 s25, v37;
	s25 =	sld [smem:$0x7F6]  }
0x20: {  	s1 =	sor.u32 $0x68, s8;
	v3 =	vadd.s32 s26, v38;
	s26 =	sld [smem:$0x7F7]  }
0x21: {  	v35 =	vor.u32 $0x1080, v46;
	s23 =	sor.u32 $0x59, s8;
	s6 =	sshll.u32 s1, $0x9;
	v43 =	vadd.s32 s1, v46;
	s1 =	sld [smem:$0x7F8]  }
0x22: {  	v36 =	vor.u32 $0x2100, v46;
	s24 =	sor.u32 $0x5A, s8;
	v0 =	vadd.s32 s23, v35;
	s23 =	sld [smem:$0x7F9]  }
0x23: {  	s2 =	sor.u32 $0x78, s8;
	v1 =	vadd.s32 s24, v36;
	s24 =	sld [smem:$0x7FA]  }
0x24: {  	s10 =	sshll.u32 s2, $0x9;
	v44 =	vadd.s32 s2, v46;
	s12 =	sadd.s32 $0x9C, s8;
	s2 =	rddreg [dreg:$0x1e]  }
0x25: {  	s13 =	sadd.s32 $0x9D, s8;
	[dreg:$0x10] =	wrdreg s12  }
0x26: {  	s14 =	sadd.s32 $0x9E, s8;
	[dreg:$0xb] =	wrdreg s13  }
0x27: {  	s15 =	sadd.s32 $0x9F, s8;
	[dreg:$0xc] =	wrdreg s14  }
0x28: {  	s16 =	sadd.s32 $0xA8, s8;
	[dreg:$0xd] =	wrdreg s15  }
0x29: {  	s7 =	sadd.s32 $0x400, s0;
	s17 =	sadd.s32 $0xA9, s8;
	[dreg:$0x8] =	wrdreg s16  }
0x2a: {  	s0 =	sor.u32 $0x58, s8;
	s18 =	sadd.s32 $0xAA, s8;
	[dreg:$0x9] =	wrdreg s17  }
0x2b: {  	s29 =	sor.u32 $0x5D, s8;
	s19 =	sadd.s32 $0xAB, s8;
	[dreg:$0xa] =	wrdreg s18  }
0x2c: {  	s28 =	sor.u32 $0x5E, s8;
	s20 =	sadd.s32 $0xAC, s8;
	[dreg:$0x5] =	wrdreg s19  }
0x2d: {  	s4 =	sshll.u32 s8, $0x9;
	s21 =	sadd.s32 $0xAD, s8;
	[dreg:$0x6] =	wrdreg s20  }
0x2e: {  	s31 =	sor.u32 $0x6E, s8;
	s22 =	sadd.s32 $0xAE, s8;
	[dreg:$0x7] =	wrdreg s21  }
0x2f: {  	s30 =	sor.u32 $0x6F, s8;
	s8 =	sadd.s32 $0xAF, s8;
	[dreg:$0x3] =	wrdreg s22  }
0x30: {  	[dreg:$0x4] =	wrdreg s8  }
0x31: {  	v16 =	vadd.s32 s2, v37;
	s2 =	rddreg [dreg:$0x17]  }
0x32: {  	v41 =	vor.u32 $0x7380, v46;
	v21 =	vadd.s32 s2, v35;
	s2 =	rddreg [dreg:$0x11]  }
0x33: {  	v6 =	vadd.s32 s25, v41;
	s25 =	rddreg [dreg:$0x1d]  }
0x34: {  	v7 =	vadd.s32 s26, v35;
	s26 =	sld [smem:$0x7FB]  }
0x35: {  	v8 =	vadd.s32 s1, v36;
	s1 =	sld [smem:$0x7FC]  }
0x36: {  	v9 =	vadd.s32 s23, v37;
	s23 =	rddreg [dreg:$0x1f]  }
0x37: {  	v10 =	vadd.s32 s24, v38;
	s24 =	sld [smem:$0x7FD]  }
0x38: {  	v39 =	vor.u32 $0x5280, v46;
	v27 =	vadd.s32 s2, v41;
	s2 =	rddreg [dreg:$0xb]  }
0x39: {  	v11 =	vadd.s32 s25, v39;
	s25 =	rddreg [dreg:$0x1a]  }
0x3a: {  	v17 =	vadd.s32 s23, v38;
	s23 =	rddreg [dreg:$0x18]  }
0x3b: {  	v40 =	vor.u32 $0x6300, v46;
	v32 =	vadd.s32 s2, v39;
	s2 =	rddreg [dreg:$0x5]  }
0x3c: {  	v19 =	vadd.s32 s25, v40;
	s25 =	rddreg [dreg:$0x14]  }
0x3d: {  	v22 =	vadd.s32 s23, v36;
	s23 =	rddreg [dreg:$0x12]  }
0x3e: {  	v14 =	vadd.s32 s26, v35;
	s26 =	rddreg [dreg:$0x1b]  }
0x3f: {  	v15 =	vadd.s32 s1, v36;
	s1 =	rddreg [dreg:$0x1c]  }
0x40: {  	v18 =	vadd.s32 s24, v39;
	s24 =	rddreg [dreg:$0x19]  }
0x41: {  	v51 =	vmul.u32 $0xFFFFFFF8, v46;
	v24 =	vadd.s32 s25, v38;
	s25 =	rddreg [dreg:$0xe]  }
0x42: {  	v47 =	vadd.s32 s23, v46;
	s23 =	rddreg [dreg:$0xc]  }
0x43: {  	v49 =	vand.u32 $0x7, v46;
	v50 =	vadd.s32 $0x100, v51;
	s4 =	sadd.s32 s7, s4;
	s5 =	sshll.u32 s0, $0x9;
	v20 =	vadd.s32 s26, v41;
	s26 =	rddreg [dreg:$0x15]  }
0x44: {  	v4 =	vadd.s32 s29, v39;
	v5 =	vadd.s32 s28, v40;
	s28 =	simm.s32 $0x6508;
	s29 =	simm.s32 $0x7588;
	v45 =	vadd.s32 s1, v46;
	s1 =	rddreg [dreg:$0x16]  }
0x45: {  	v12 =	vadd.s32 s31, v40;
	v13 =	vadd.s32 s30, v41;
	s30 =	simm.s32 $0x1;
	s31 =	simm.s32 $0x0;
	v23 =	vadd.s32 s24, v37;
	s24 =	rddreg [dreg:$0x13]  }
0x46: {  	v51 =	vadd.s32 $0x80, v51;
	v42 =	vadd.s32 s0, v46;
	s5 =	sadd.s32 s7, s5;
	s11 =	sadd.s32 $0x3000, s4;
	v29 =	vadd.s32 s25, v36;
	s25 =	rddreg [dreg:$0x8]  }
0x47: {  	v42 =	vand.u32 $0x7FFFFFF8, v42;
	v44 =	vand.u32 $0x7FFFFFF8, v44;
	s6 =	sadd.s32 s7, s6;
	s7 =	sadd.s32 s7, s10;
	v33 =	vadd.s32 s23, v40;
	s23 =	rddreg [dreg:$0x6]  }
0x48: {  	s8 =	smax.u32 s9, $0x1;
	s9 =	sadd.s32 $0x1000, s4;
	v43 =	vand.u32 $0x7FFFFFF8, v43;
	v42 =	vor.u32 v49, v42;
	v25 =	vadd.s32 s26, v39;
	s26 =	rddreg [dreg:$0xf]  }
0x49: {  	s10 =	sadd.s32 $0x2000, s4;
	s12 =	sadd.s32 $0x4000, s4;
	v44 =	vor.u32 v49, v44;
	v43 =	vor.u32 v49, v43;
	v26 =	vadd.s32 s1, v40;
	s1 =	rddreg [dreg:$0x10]  }
0x4a: {  	s13 =	sadd.s32 $0x5000, s4;
	s14 =	sadd.s32 $0x6000, s4;
	v47 =	vand.u32 $0x7FFFFFB8, v47;
	v28 =	vadd.s32 s24, v35;
	s24 =	rddreg [dreg:$0xd];
	v48 =	vadd.s32 s25, v46  }
0x4b: {  	s15 =	sadd.s32 $0x7000, s4;
	s16 =	sadd.s32 $0x8000, s4;
	s25 =	rddreg [dreg:$0x3];
	v45 =	vand.u32 $0x7FFFFF98, v45;
	v46 =	vmul.u32 $0x8, v46;
	v47 =	vor.u32 v49, v47  }
0x4c: {  	s17 =	sadd.s32 $0x9000, s4;
	s18 =	sadd.s32 $0xA000, s4;
	v30 =	vadd.s32 s26, v37;
	v31 =	vadd.s32 s1, v38;
	v34 =	vadd.s32 s24, v41;
	s26 =	rddreg [dreg:$0x9]  }
0x4d: {  	s19 =	sadd.s32 $0xC000, s4;
	s20 =	sadd.s32 $0xE000, s4;
	s1 =	rddreg [dreg:$0xa];
	v37 =	vadd.s32 s2, v37;
	v38 =	vadd.s32 s23, v38;
	v40 =	vadd.s32 s25, v40  }
0x4e: {  	s21 =	simm.s32 $0x2;
	s22 =	simm.s32 $0x208;
	s24 =	rddreg [dreg:$0x7];
	v48 =	vand.u32 $0x7FFFFFB8, v48;
	v45 =	vor.u32 v49, v45;
	v35 =	vadd.s32 s26, v35  }
0x4f: {  	s23 =	simm.s32 $0x2308;
	s25 =	simm.s32 $0x4408;
	v36 =	vadd.s32 s1, v36;
	v39 =	vadd.s32 s24, v39;
	s26 =	rddreg [dreg:$0x4];
	v48 =	vor.u32 v49, v48  }
0x50: {  	s1 =	simm.s32 $0x1288;
	s24 =	simm.s32 $0x3388;
	v49 =	vimm.s32 $0x100;
	v52 =	vor.u32 $0x80, v46;
	v41 =	vadd.s32 s26, v41;
	s26 =	simm.s32 $0x5488  }
.LBB2_1:
0x51: {  	s0 =	rddreg [dreg:$0x0]  }
0x52: {  	[tilespmem:s3], [sflag:$0x2] =	stream.linear.gather [hbm4b:s0+s3], $0x208, $0x38;
	[tilespmem:$0x8608] =	vst v63  }
0x53: {  	_ =	swait.ge [sflag:s21], $0x208  }
0x54: {  	[sflag:s21] =	ssyncset.done $0x0  }
0x55: {  	[sflag:s21] =	ssyncadd.s32 $0xFFFFFDF8  }
0x56: {  	v53 =	vld.idx.msk [tilespmem:v49+s3+$0x0], $0xffff;
	_ =	sdelay $0x4  }
0x57: {  	[tilespmem:s22+$0x0] =	vst v53  }
0x58: {  	[tilespmem:s22+$0x73B0] =	vst v53  }
0x59: {  	[tilespmem:s22+$0x6330] =	vst v53  }
0x5a: {  	[tilespmem:s22+$0x52B0] =	vst v53  }
0x5b: {  	[tilespmem:s22+$0x4230] =	vst v53  }
0x5c: {  	[tilespmem:s22+$0x31B0] =	vst v53  }
0x5d: {  	[tilespmem:s22+$0x2130] =	vst v53  }
0x5e: {  	[tilespmem:s22+$0x10B0] =	vst v53  }
0x5f: {  	[tilespmem:s22+$0x30] =	vst v53  }
0x60: {  	[tilespmem:s22+$0x73A0] =	vst v53  }
0x61: {  	[tilespmem:s22+$0x6320] =	vst v53  }
0x62: {  	[tilespmem:s22+$0x52A0] =	vst v53  }
0x63: {  	[tilespmem:s22+$0x4220] =	vst v53  }
0x64: {  	[tilespmem:s22+$0x31A0] =	vst v53  }
0x65: {  	[tilespmem:s22+$0x2120] =	vst v53  }
0x66: {  	[tilespmem:s22+$0x10A0] =	vst v53  }
0x67: {  	[tilespmem:s22+$0x20] =	vst v53  }
0x68: {  	[tilespmem:s22+$0x7390] =	vst v53  }
0x69: {  	[tilespmem:s22+$0x6310] =	vst v53  }
0x6a: {  	[tilespmem:s22+$0x5290] =	vst v53  }
0x6b: {  	[tilespmem:s22+$0x4210] =	vst v53  }
0x6c: {  	[tilespmem:s22+$0x3190] =	vst v53  }
0x6d: {  	[tilespmem:s22+$0x2110] =	vst v53  }
0x6e: {  	[tilespmem:s22+$0x1090] =	vst v53  }
0x6f: {  	[tilespmem:s22+$0x10] =	vst v53  }
0x70: {  	[tilespmem:s22+$0x7380] =	vst v53  }
0x71: {  	[tilespmem:s22+$0x6300] =	vst v53  }
0x72: {  	[tilespmem:s22+$0x5280] =	vst v53  }
0x73: {  	[tilespmem:s22+$0x4200] =	vst v53  }
0x74: {  	[tilespmem:s22+$0x3180] =	vst v53  }
0x75: {  	s2 =	simm.s32 $0x208;
	s0 =	simm.s32 $0x0;
	[tilespmem:s22+$0x2100] =	vst v53  }
.LBB2_2:
0x76: {  	s0 =	sadd.s32 $0x4, s0;
	[tilespmem:s2+$0x1080] =	vst v53;
	s2 =	sadd.s32 $0x40, s2  }
0x77: {  	[tilespmem:s2+$0x0] =	vst v53;
	p0 =	slt.u32 s0, $0x104  }
0x78: {  	[tilespmem:s2+$0x73B0] =	vst v53  }
0x79: {  	[tilespmem:s2+$0x6330] =	vst v53  }
0x7a: {  	[tilespmem:s2+$0x52B0] =	vst v53  }
0x7b: {  	[tilespmem:s2+$0x4230] =	vst v53  }
0x7c: {  	[tilespmem:s2+$0x31B0] =	vst v53  }
0x7d: {  	[tilespmem:s2+$0x2130] =	vst v53  }
0x7e: {  	[tilespmem:s2+$0x10B0] =	vst v53  }
0x7f: {  	[tilespmem:s2+$0x30] =	vst v53  }
0x80: {  	[tilespmem:s2+$0x73A0] =	vst v53  }
0x81: {  	[tilespmem:s2+$0x6320] =	vst v53  }
0x82: {  	[tilespmem:s2+$0x52A0] =	vst v53  }
0x83: {  	[tilespmem:s2+$0x4220] =	vst v53  }
0x84: {  	[tilespmem:s2+$0x31A0] =	vst v53  }
0x85: {  	[tilespmem:s2+$0x2120] =	vst v53  }
0x86: {  	[tilespmem:s2+$0x10A0] =	vst v53  }
0x87: {  	[tilespmem:s2+$0x20] =	vst v53  }
0x88: {  	[tilespmem:s2+$0x7390] =	vst v53  }
0x89: {  	[tilespmem:s2+$0x6310] =	vst v53  }
0x8a: {  	[tilespmem:s2+$0x5290] =	vst v53  }
0x8b: {  	[tilespmem:s2+$0x4210] =	vst v53  }
0x8c: {  	[tilespmem:s2+$0x3190] =	vst v53  }
0x8d: {  	[tilespmem:s2+$0x2110] =	vst v53  }
0x8e: {  	[tilespmem:s2+$0x1090] =	vst v53  }
0x8f: {  	[tilespmem:s2+$0x10] =	vst v53  }
0x90: {  	[tilespmem:s2+$0x7380] =	vst v53  }
.Ltmp0:
0x91: {  	[tilespmem:s2+$0x6300] =	vst v53;
	(pc) =	sbr.rel @p0 .LBB2_2-.Ltmp0, $4  }
0x92: {  	[tilespmem:s2+$0x5280] =	vst v53  }
0x93: {  	[tilespmem:s2+$0x4200] =	vst v53  }
0x94: {  	[tilespmem:s2+$0x3180] =	vst v53  }
0x95: {  	[tilespmem:s2+$0x2100] =	vst v53  }
0x96: {  	_ =	sdelay $0x2  }
0x97: {  	[tilespmem:s2+$0x1080] =	vst v53  }
0x98: {  	v53 =	vld.idx.msk [tilespmem:v50+s3+$0x0], $0xffff;
	_ =	sdelay $0x4  }
0x99: {  	[tilespmem:v42+s22+$0x0] =	vst.idx.msk $0xffff, v53  }
0x9a: {  	[tilespmem:v0+s22+$0x0] =	vst.idx.msk $0xffff, v53  }
0x9b: {  	[tilespmem:v1+s22+$0x0] =	vst.idx.msk $0xffff, v53  }
0x9c: {  	[tilespmem:v2+s22+$0x0] =	vst.idx.msk $0xffff, v53  }
0x9d: {  	[tilespmem:v3+s22+$0x0] =	vst.idx.msk $0xffff, v53  }
0x9e: {  	[tilespmem:v4+s22+$0x0] =	vst.idx.msk $0xffff, v53  }
0x9f: {  	[tilespmem:v5+s22+$0x0] =	vst.idx.msk $0xffff, v53  }
0xa0: {  	[tilespmem:v6+s22+$0x0] =	vst.idx.msk $0xffff, v53  }
0xa1: {  	v53 =	vld.idx.msk [tilespmem:v51+s3+$0x0], $0xffff;
	_ =	sdelay $0x4  }
0xa2: {  	[tilespmem:v43+s22+$0x0] =	vst.idx.msk $0xffff, v53  }
0xa3: {  	[tilespmem:v7+s22+$0x0] =	vst.idx.msk $0xffff, v53  }
0xa4: {  	[tilespmem:v8+s22+$0x0] =	vst.idx.msk $0xffff, v53  }
0xa5: {  	[tilespmem:v9+s22+$0x0] =	vst.idx.msk $0xffff, v53  }
0xa6: {  	[tilespmem:v10+s22+$0x0] =	vst.idx.msk $0xffff, v53  }
0xa7: {  	[tilespmem:v11+s22+$0x0] =	vst.idx.msk $0xffff, v53  }
0xa8: {  	[tilespmem:v12+s22+$0x0] =	vst.idx.msk $0xffff, v53  }
0xa9: {  	[tilespmem:v13+s22+$0x0] =	vst.idx.msk $0xffff, v53  }
0xaa: {  	v53 =	vld.idx.msk [tilespmem:v46+s3+$0x0], $0xffff;
	_ =	sdelay $0x4  }
0xab: {  	[tilespmem:v44+s22+$0x0] =	vst.idx.msk $0xffff, v53  }
0xac: {  	[tilespmem:v14+s22+$0x0] =	vst.idx.msk $0xffff, v53  }
0xad: {  	[tilespmem:v15+s22+$0x0] =	vst.idx.msk $0xffff, v53  }
0xae: {  	[tilespmem:v16+s22+$0x0] =	vst.idx.msk $0xffff, v53  }
0xaf: {  	[tilespmem:v17+s22+$0x0] =	vst.idx.msk $0xffff, v53  }
0xb0: {  	[tilespmem:v18+s22+$0x0] =	vst.idx.msk $0xffff, v53  }
0xb1: {  	[tilespmem:v19+s22+$0x0] =	vst.idx.msk $0xffff, v53  }
0xb2: {  	[tilespmem:v20+s22+$0x0] =	vst.idx.msk $0xffff, v53  }
0xb3: {  	v53 =	vld.idx.msk [tilespmem:v52+s3+$0x0], $0xffff;
	_ =	sdelay $0x4  }
0xb4: {  	[tilespmem:v45+s22+$0x0] =	vst.idx.msk $0xffff, v53  }
0xb5: {  	[tilespmem:v21+s22+$0x0] =	vst.idx.msk $0xffff, v53  }
0xb6: {  	[tilespmem:v22+s22+$0x0] =	vst.idx.msk $0xffff, v53  }
0xb7: {  	[tilespmem:v23+s22+$0x0] =	vst.idx.msk $0xffff, v53  }
0xb8: {  	[tilespmem:v24+s22+$0x0] =	vst.idx.msk $0xffff, v53  }
0xb9: {  	[tilespmem:v25+s22+$0x0] =	vst.idx.msk $0xffff, v53  }
0xba: {  	[tilespmem:v26+s22+$0x0] =	vst.idx.msk $0xffff, v53  }
0xbb: {  	[tilespmem:v27+s22+$0x0] =	vst.idx.msk $0xffff, v53  }
0xbc: {  	v53 =	vld.idx.msk [tilespmem:v49+s3+$0x0], $0xffff;
	_ =	sdelay $0x4  }
0xbd: {  	[tilespmem:v47+s22+$0x0] =	vst.idx.msk $0xffff, v53  }
0xbe: {  	[tilespmem:v28+s22+$0x0] =	vst.idx.msk $0xffff, v53  }
0xbf: {  	[tilespmem:v29+s22+$0x0] =	vst.idx.msk $0xffff, v53  }
0xc0: {  	[tilespmem:v30+s22+$0x0] =	vst.idx.msk $0xffff, v53  }
0xc1: {  	[tilespmem:v31+s22+$0x0] =	vst.idx.msk $0xffff, v53  }
0xc2: {  	[tilespmem:v32+s22+$0x0] =	vst.idx.msk $0xffff, v53  }
0xc3: {  	[tilespmem:v33+s22+$0x0] =	vst.idx.msk $0xffff, v53  }
0xc4: {  	[tilespmem:v34+s22+$0x0] =	vst.idx.msk $0xffff, v53  }
0xc5: {  	v53 =	vld.idx.msk [tilespmem:v49+s3+$0x0], $0xffff;
	_ =	sdelay $0x4  }
0xc6: {  	[tilespmem:v48+s22+$0x0] =	vst.idx.msk $0xffff, v53  }
0xc7: {  	[tilespmem:v35+s22+$0x0] =	vst.idx.msk $0xffff, v53  }
0xc8: {  	[tilespmem:v36+s22+$0x0] =	vst.idx.msk $0xffff, v53  }
0xc9: {  	[tilespmem:v37+s22+$0x0] =	vst.idx.msk $0xffff, v53  }
0xca: {  	[tilespmem:v38+s22+$0x0] =	vst.idx.msk $0xffff, v53  }
0xcb: {  	[tilespmem:v39+s22+$0x0] =	vst.idx.msk $0xffff, v53  }
0xcc: {  	[tilespmem:v40+s22+$0x0] =	vst.idx.msk $0xffff, v53  }
0xcd: {  	s0 =	simm.s32 $0x280;
	[tilespmem:v41+s22+$0x0] =	vst.idx.msk $0xffff, v53  }
0xce: {  	[hbm4b:s4+s3] =	stream.linear.scatter [tilespmem:s0], [sflag:$0x1], $0x1000, $0x38;
	[tilespmem:$0x8608] =	vst v63  }
0xcf: {  	s2 =	simm.s32 $0x1300;
	s0 =	sadd.s32 $0x200, s4  }
0xd0: {  	[hbm4b:s0+s3] =	stream.linear.scatter [tilespmem:s2], [sflag:$0x1], $0x1000, $0x38;
	[tilespmem:$0x8608] =	vst v63  }
0xd1: {  	s0 =	sadd.s32 $0x400, s4;
	s2 =	simm.s32 $0x2380  }
0xd2: {  	[hbm4b:s0+s3] =	stream.linear.scatter [tilespmem:s2], [sflag:$0x1], $0x1000, $0x38;
	[tilespmem:$0x8608] =	vst v63  }
0xd3: {  	s0 =	sadd.s32 $0x600, s4;
	s2 =	simm.s32 $0x3400  }
0xd4: {  	[hbm4b:s0+s3] =	stream.linear.scatter [tilespmem:s2], [sflag:$0x1], $0x1000, $0x38;
	[tilespmem:$0x8608] =	vst v63  }
0xd5: {  	s0 =	sadd.s32 $0x800, s4;
	s2 =	simm.s32 $0x4480  }
0xd6: {  	[hbm4b:s0+s3] =	stream.linear.scatter [tilespmem:s2], [sflag:$0x1], $0x1000, $0x38;
	[tilespmem:$0x8608] =	vst v63  }
0xd7: {  	s0 =	sadd.s32 $0xA00, s4;
	s2 =	simm.s32 $0x5500  }
0xd8: {  	[hbm4b:s0+s3] =	stream.linear.scatter [tilespmem:s2], [sflag:$0x1], $0x1000, $0x38;
	[tilespmem:$0x8608] =	vst v63  }
0xd9: {  	s0 =	sadd.s32 $0xC00, s4;
	s2 =	simm.s32 $0x6580  }
0xda: {  	[hbm4b:s0+s3] =	stream.linear.scatter [tilespmem:s2], [sflag:$0x1], $0x1000, $0x38;
	[tilespmem:$0x8608] =	vst v63  }
0xdb: {  	s0 =	sadd.s32 $0xE00, s4;
	s2 =	simm.s32 $0x7600  }
0xdc: {  	[hbm4b:s0+s3] =	stream.linear.scatter [tilespmem:s2], [sflag:$0x1], $0x1000, $0x38;
	[tilespmem:$0x8608] =	vst v63  }
0xdd: {  	s2 =	simm.s32 $0x278  }
0xde: {  	[hbm4b:s9+s3] =	stream.linear.scatter [tilespmem:s2], [sflag:$0x1], $0x1000, $0x38;
	[tilespmem:$0x8608] =	vst v63  }
0xdf: {  	s0 =	sadd.s32 $0x200, s9;
	s2 =	simm.s32 $0x12F8  }
0xe0: {  	[hbm4b:s0+s3] =	stream.linear.scatter [tilespmem:s2], [sflag:$0x1], $0x1000, $0x38;
	[tilespmem:$0x8608] =	vst v63  }
0xe1: {  	s0 =	sadd.s32 $0x400, s9;
	s2 =	simm.s32 $0x2378  }
0xe2: {  	[hbm4b:s0+s3] =	stream.linear.scatter [tilespmem:s2], [sflag:$0x1], $0x1000, $0x38;
	[tilespmem:$0x8608] =	vst v63  }
0xe3: {  	s0 =	sadd.s32 $0x600, s9;
	s2 =	simm.s32 $0x33F8  }
0xe4: {  	[hbm4b:s0+s3] =	stream.linear.scatter [tilespmem:s2], [sflag:$0x1], $0x1000, $0x38;
	[tilespmem:$0x8608] =	vst v63  }
0xe5: {  	s0 =	sadd.s32 $0x800, s9;
	s2 =	simm.s32 $0x4478  }
0xe6: {  	[hbm4b:s0+s3] =	stream.linear.scatter [tilespmem:s2], [sflag:$0x1], $0x1000, $0x38;
	[tilespmem:$0x8608] =	vst v63  }
0xe7: {  	s0 =	sadd.s32 $0xA00, s9;
	s2 =	simm.s32 $0x54F8  }
0xe8: {  	[hbm4b:s0+s3] =	stream.linear.scatter [tilespmem:s2], [sflag:$0x1], $0x1000, $0x38;
	[tilespmem:$0x8608] =	vst v63  }
0xe9: {  	s0 =	sadd.s32 $0xC00, s9;
	s2 =	simm.s32 $0x6578  }
0xea: {  	[hbm4b:s0+s3] =	stream.linear.scatter [tilespmem:s2], [sflag:$0x1], $0x1000, $0x38;
	[tilespmem:$0x8608] =	vst v63  }
0xeb: {  	s0 =	sadd.s32 $0xE00, s9;
	s2 =	simm.s32 $0x75F8  }
0xec: {  	[hbm4b:s0+s3] =	stream.linear.scatter [tilespmem:s2], [sflag:$0x1], $0x1000, $0x38;
	[tilespmem:$0x8608] =	vst v63  }
0xed: {  	s2 =	simm.s32 $0x270  }
0xee: {  	[hbm4b:s10+s3] =	stream.linear.scatter [tilespmem:s2], [sflag:$0x1], $0x1000, $0x38;
	[tilespmem:$0x8608] =	vst v63  }
0xef: {  	s0 =	sadd.s32 $0x200, s10;
	s2 =	simm.s32 $0x12F0  }
0xf0: {  	[hbm4b:s0+s3] =	stream.linear.scatter [tilespmem:s2], [sflag:$0x1], $0x1000, $0x38;
	[tilespmem:$0x8608] =	vst v63  }
0xf1: {  	s0 =	sadd.s32 $0x400, s10;
	s2 =	simm.s32 $0x2370  }
0xf2: {  	[hbm4b:s0+s3] =	stream.linear.scatter [tilespmem:s2], [sflag:$0x1], $0x1000, $0x38;
	[tilespmem:$0x8608] =	vst v63  }
0xf3: {  	s0 =	sadd.s32 $0x600, s10;
	s2 =	simm.s32 $0x33F0  }
0xf4: {  	[hbm4b:s0+s3] =	stream.linear.scatter [tilespmem:s2], [sflag:$0x1], $0x1000, $0x38;
	[tilespmem:$0x8608] =	vst v63  }
0xf5: {  	s0 =	sadd.s32 $0x800, s10;
	s2 =	simm.s32 $0x4470  }
0xf6: {  	[hbm4b:s0+s3] =	stream.linear.scatter [tilespmem:s2], [sflag:$0x1], $0x1000, $0x38;
	[tilespmem:$0x8608] =	vst v63  }
0xf7: {  	s0 =	sadd.s32 $0xA00, s10;
	s2 =	simm.s32 $0x54F0  }
0xf8: {  	[hbm4b:s0+s3] =	stream.linear.scatter [tilespmem:s2], [sflag:$0x1], $0x1000, $0x38;
	[tilespmem:$0x8608] =	vst v63  }
0xf9: {  	s0 =	sadd.s32 $0xC00, s10;
	s2 =	simm.s32 $0x6570  }
0xfa: {  	[hbm4b:s0+s3] =	stream.linear.scatter [tilespmem:s2], [sflag:$0x1], $0x1000, $0x38;
	[tilespmem:$0x8608] =	vst v63  }
0xfb: {  	s0 =	sadd.s32 $0xE00, s10;
	s2 =	simm.s32 $0x75F0  }
0xfc: {  	[hbm4b:s0+s3] =	stream.linear.scatter [tilespmem:s2], [sflag:$0x1], $0x1000, $0x38;
	[tilespmem:$0x8608] =	vst v63  }
0xfd: {  	s2 =	simm.s32 $0x268  }
0xfe: {  	[hbm4b:s11+s3] =	stream.linear.scatter [tilespmem:s2], [sflag:$0x1], $0x1000, $0x38;
	[tilespmem:$0x8608] =	vst v63  }
0xff: {  	s0 =	sadd.s32 $0x200, s11;
	s2 =	simm.s32 $0x12E8  }
0x100: {  	[hbm4b:s0+s3] =	stream.linear.scatter [tilespmem:s2], [sflag:$0x1], $0x1000, $0x38;
	[tilespmem:$0x8608] =	vst v63  }
0x101: {  	s0 =	sadd.s32 $0x400, s11;
	s2 =	simm.s32 $0x2368  }
0x102: {  	[hbm4b:s0+s3] =	stream.linear.scatter [tilespmem:s2], [sflag:$0x1], $0x1000, $0x38;
	[tilespmem:$0x8608] =	vst v63  }
0x103: {  	s0 =	sadd.s32 $0x600, s11;
	s2 =	simm.s32 $0x33E8  }
0x104: {  	[hbm4b:s0+s3] =	stream.linear.scatter [tilespmem:s2], [sflag:$0x1], $0x1000, $0x38;
	[tilespmem:$0x8608] =	vst v63  }
0x105: {  	s0 =	sadd.s32 $0x800, s11;
	s2 =	simm.s32 $0x4468  }
0x106: {  	[hbm4b:s0+s3] =	stream.linear.scatter [tilespmem:s2], [sflag:$0x1], $0x1000, $0x38;
	[tilespmem:$0x8608] =	vst v63  }
0x107: {  	s0 =	sadd.s32 $0xA00, s11;
	s2 =	simm.s32 $0x54E8  }
0x108: {  	[hbm4b:s0+s3] =	stream.linear.scatter [tilespmem:s2], [sflag:$0x1], $0x1000, $0x38;
	[tilespmem:$0x8608] =	vst v63  }
0x109: {  	s0 =	sadd.s32 $0xC00, s11;
	s2 =	simm.s32 $0x6568  }
0x10a: {  	[hbm4b:s0+s3] =	stream.linear.scatter [tilespmem:s2], [sflag:$0x1], $0x1000, $0x38;
	[tilespmem:$0x8608] =	vst v63  }
0x10b: {  	s0 =	sadd.s32 $0xE00, s11;
	s2 =	simm.s32 $0x75E8  }
0x10c: {  	[hbm4b:s0+s3] =	stream.linear.scatter [tilespmem:s2], [sflag:$0x1], $0x1000, $0x38;
	[tilespmem:$0x8608] =	vst v63  }
0x10d: {  	s2 =	simm.s32 $0x260  }
0x10e: {  	[hbm4b:s12+s3] =	stream.linear.scatter [tilespmem:s2], [sflag:$0x1], $0x1000, $0x38;
	[tilespmem:$0x8608] =	vst v63  }
0x10f: {  	s0 =	sadd.s32 $0x200, s12;
	s2 =	simm.s32 $0x12E0  }
0x110: {  	[hbm4b:s0+s3] =	stream.linear.scatter [tilespmem:s2], [sflag:$0x1], $0x1000, $0x38;
	[tilespmem:$0x8608] =	vst v63  }
0x111: {  	s0 =	sadd.s32 $0x400, s12;
	s2 =	simm.s32 $0x2360  }
0x112: {  	[hbm4b:s0+s3] =	stream.linear.scatter [tilespmem:s2], [sflag:$0x1], $0x1000, $0x38;
	[tilespmem:$0x8608] =	vst v63  }
0x113: {  	s0 =	sadd.s32 $0x600, s12;
	s2 =	simm.s32 $0x33E0  }
0x114: {  	[hbm4b:s0+s3] =	stream.linear.scatter [tilespmem:s2], [sflag:$0x1], $0x1000, $0x38;
	[tilespmem:$0x8608] =	vst v63  }
0x115: {  	s0 =	sadd.s32 $0x800, s12;
	s2 =	simm.s32 $0x4460  }
0x116: {  	[hbm4b:s0+s3] =	stream.linear.scatter [tilespmem:s2], [sflag:$0x1], $0x1000, $0x38;
	[tilespmem:$0x8608] =	vst v63  }
0x117: {  	s0 =	sadd.s32 $0xA00, s12;
	s2 =	simm.s32 $0x54E0  }
0x118: {  	[hbm4b:s0+s3] =	stream.linear.scatter [tilespmem:s2], [sflag:$0x1], $0x1000, $0x38;
	[tilespmem:$0x8608] =	vst v63  }
0x119: {  	s0 =	sadd.s32 $0xC00, s12;
	s2 =	simm.s32 $0x6560  }
0x11a: {  	[hbm4b:s0+s3] =	stream.linear.scatter [tilespmem:s2], [sflag:$0x1], $0x1000, $0x38;
	[tilespmem:$0x8608] =	vst v63  }
0x11b: {  	s0 =	sadd.s32 $0xE00, s12;
	s2 =	simm.s32 $0x75E0  }
0x11c: {  	[hbm4b:s0+s3] =	stream.linear.scatter [tilespmem:s2], [sflag:$0x1], $0x1000, $0x38;
	[tilespmem:$0x8608] =	vst v63  }
0x11d: {  	s2 =	simm.s32 $0x258  }
0x11e: {  	[hbm4b:s13+s3] =	stream.linear.scatter [tilespmem:s2], [sflag:$0x1], $0x1000, $0x38;
	[tilespmem:$0x8608] =	vst v63  }
0x11f: {  	s0 =	sadd.s32 $0x200, s13;
	s2 =	simm.s32 $0x12D8  }
0x120: {  	[hbm4b:s0+s3] =	stream.linear.scatter [tilespmem:s2], [sflag:$0x1], $0x1000, $0x38;
	[tilespmem:$0x8608] =	vst v63  }
0x121: {  	s0 =	sadd.s32 $0x400, s13;
	s2 =	simm.s32 $0x2358  }
0x122: {  	[hbm4b:s0+s3] =	stream.linear.scatter [tilespmem:s2], [sflag:$0x1], $0x1000, $0x38;
	[tilespmem:$0x8608] =	vst v63  }
0x123: {  	s0 =	sadd.s32 $0x600, s13;
	s2 =	simm.s32 $0x33D8  }
0x124: {  	[hbm4b:s0+s3] =	stream.linear.scatter [tilespmem:s2], [sflag:$0x1], $0x1000, $0x38;
	[tilespmem:$0x8608] =	vst v63  }
0x125: {  	s0 =	sadd.s32 $0x800, s13;
	s2 =	simm.s32 $0x4458  }
0x126: {  	[hbm4b:s0+s3] =	stream.linear.scatter [tilespmem:s2], [sflag:$0x1], $0x1000, $0x38;
	[tilespmem:$0x8608] =	vst v63  }
0x127: {  	s0 =	sadd.s32 $0xA00, s13;
	s2 =	simm.s32 $0x54D8  }
0x128: {  	[hbm4b:s0+s3] =	stream.linear.scatter [tilespmem:s2], [sflag:$0x1], $0x1000, $0x38;
	[tilespmem:$0x8608] =	vst v63  }
0x129: {  	s0 =	sadd.s32 $0xC00, s13;
	s2 =	simm.s32 $0x6558  }
0x12a: {  	[hbm4b:s0+s3] =	stream.linear.scatter [tilespmem:s2], [sflag:$0x1], $0x1000, $0x38;
	[tilespmem:$0x8608] =	vst v63  }
0x12b: {  	s0 =	sadd.s32 $0xE00, s13;
	s2 =	simm.s32 $0x75D8  }
0x12c: {  	[hbm4b:s0+s3] =	stream.linear.scatter [tilespmem:s2], [sflag:$0x1], $0x1000, $0x38;
	[tilespmem:$0x8608] =	vst v63  }
0x12d: {  	s2 =	simm.s32 $0x250  }
0x12e: {  	[hbm4b:s14+s3] =	stream.linear.scatter [tilespmem:s2], [sflag:$0x1], $0x1000, $0x38;
	[tilespmem:$0x8608] =	vst v63  }
0x12f: {  	s0 =	sadd.s32 $0x200, s14;
	s2 =	simm.s32 $0x12D0  }
0x130: {  	[hbm4b:s0+s3] =	stream.linear.scatter [tilespmem:s2], [sflag:$0x1], $0x1000, $0x38;
	[tilespmem:$0x8608] =	vst v63  }
0x131: {  	s0 =	sadd.s32 $0x400, s14;
	s2 =	simm.s32 $0x2350  }
0x132: {  	[hbm4b:s0+s3] =	stream.linear.scatter [tilespmem:s2], [sflag:$0x1], $0x1000, $0x38;
	[tilespmem:$0x8608] =	vst v63  }
0x133: {  	s0 =	sadd.s32 $0x600, s14;
	s2 =	simm.s32 $0x33D0  }
0x134: {  	[hbm4b:s0+s3] =	stream.linear.scatter [tilespmem:s2], [sflag:$0x1], $0x1000, $0x38;
	[tilespmem:$0x8608] =	vst v63  }
0x135: {  	s0 =	sadd.s32 $0x800, s14;
	s2 =	simm.s32 $0x4450  }
0x136: {  	[hbm4b:s0+s3] =	stream.linear.scatter [tilespmem:s2], [sflag:$0x1], $0x1000, $0x38;
	[tilespmem:$0x8608] =	vst v63  }
0x137: {  	s0 =	sadd.s32 $0xA00, s14;
	s2 =	simm.s32 $0x54D0  }
0x138: {  	[hbm4b:s0+s3] =	stream.linear.scatter [tilespmem:s2], [sflag:$0x1], $0x1000, $0x38;
	[tilespmem:$0x8608] =	vst v63  }
0x139: {  	s0 =	sadd.s32 $0xC00, s14;
	s2 =	simm.s32 $0x6550  }
0x13a: {  	[hbm4b:s0+s3] =	stream.linear.scatter [tilespmem:s2], [sflag:$0x1], $0x1000, $0x38;
	[tilespmem:$0x8608] =	vst v63  }
0x13b: {  	s0 =	sadd.s32 $0xE00, s14;
	s2 =	simm.s32 $0x75D0  }
0x13c: {  	[hbm4b:s0+s3] =	stream.linear.scatter [tilespmem:s2], [sflag:$0x1], $0x1000, $0x38;
	[tilespmem:$0x8608] =	vst v63  }
0x13d: {  	s2 =	simm.s32 $0x248  }
0x13e: {  	[hbm4b:s15+s3] =	stream.linear.scatter [tilespmem:s2], [sflag:$0x1], $0x1000, $0x38;
	[tilespmem:$0x8608] =	vst v63  }
0x13f: {  	s0 =	sadd.s32 $0x200, s15;
	s2 =	simm.s32 $0x12C8  }
0x140: {  	[hbm4b:s0+s3] =	stream.linear.scatter [tilespmem:s2], [sflag:$0x1], $0x1000, $0x38;
	[tilespmem:$0x8608] =	vst v63  }
0x141: {  	s0 =	sadd.s32 $0x400, s15;
	s2 =	simm.s32 $0x2348  }
0x142: {  	[hbm4b:s0+s3] =	stream.linear.scatter [tilespmem:s2], [sflag:$0x1], $0x1000, $0x38;
	[tilespmem:$0x8608] =	vst v63  }
0x143: {  	s0 =	sadd.s32 $0x600, s15;
	s2 =	simm.s32 $0x33C8  }
0x144: {  	[hbm4b:s0+s3] =	stream.linear.scatter [tilespmem:s2], [sflag:$0x1], $0x1000, $0x38;
	[tilespmem:$0x8608] =	vst v63  }
0x145: {  	s0 =	sadd.s32 $0x800, s15;
	s2 =	simm.s32 $0x4448  }
0x146: {  	[hbm4b:s0+s3] =	stream.linear.scatter [tilespmem:s2], [sflag:$0x1], $0x1000, $0x38;
	[tilespmem:$0x8608] =	vst v63  }
0x147: {  	s0 =	sadd.s32 $0xA00, s15;
	s2 =	simm.s32 $0x54C8  }
0x148: {  	[hbm4b:s0+s3] =	stream.linear.scatter [tilespmem:s2], [sflag:$0x1], $0x1000, $0x38;
	[tilespmem:$0x8608] =	vst v63  }
0x149: {  	s0 =	sadd.s32 $0xC00, s15;
	s2 =	simm.s32 $0x6548  }
0x14a: {  	[hbm4b:s0+s3] =	stream.linear.scatter [tilespmem:s2], [sflag:$0x1], $0x1000, $0x38;
	[tilespmem:$0x8608] =	vst v63  }
0x14b: {  	s0 =	sadd.s32 $0xE00, s15;
	s2 =	simm.s32 $0x75C8  }
0x14c: {  	[hbm4b:s0+s3] =	stream.linear.scatter [tilespmem:s2], [sflag:$0x1], $0x1000, $0x38;
	[tilespmem:$0x8608] =	vst v63  }
0x14d: {  	s2 =	simm.s32 $0x240  }
0x14e: {  	[hbm4b:s16+s3] =	stream.linear.scatter [tilespmem:s2], [sflag:$0x1], $0x1000, $0x38;
	[tilespmem:$0x8608] =	vst v63  }
0x14f: {  	s0 =	sadd.s32 $0x200, s16;
	s2 =	simm.s32 $0x12C0  }
0x150: {  	[hbm4b:s0+s3] =	stream.linear.scatter [tilespmem:s2], [sflag:$0x1], $0x1000, $0x38;
	[tilespmem:$0x8608] =	vst v63  }
0x151: {  	s0 =	sadd.s32 $0x400, s16;
	s2 =	simm.s32 $0x2340  }
0x152: {  	[hbm4b:s0+s3] =	stream.linear.scatter [tilespmem:s2], [sflag:$0x1], $0x1000, $0x38;
	[tilespmem:$0x8608] =	vst v63  }
0x153: {  	s0 =	sadd.s32 $0x600, s16;
	s2 =	simm.s32 $0x33C0  }
0x154: {  	[hbm4b:s0+s3] =	stream.linear.scatter [tilespmem:s2], [sflag:$0x1], $0x1000, $0x38;
	[tilespmem:$0x8608] =	vst v63  }
0x155: {  	s0 =	sadd.s32 $0x800, s16;
	s2 =	simm.s32 $0x4440  }
0x156: {  	[hbm4b:s0+s3] =	stream.linear.scatter [tilespmem:s2], [sflag:$0x1], $0x1000, $0x38;
	[tilespmem:$0x8608] =	vst v63  }
0x157: {  	s0 =	sadd.s32 $0xA00, s16;
	s2 =	simm.s32 $0x54C0  }
0x158: {  	[hbm4b:s0+s3] =	stream.linear.scatter [tilespmem:s2], [sflag:$0x1], $0x1000, $0x38;
	[tilespmem:$0x8608] =	vst v63  }
0x159: {  	s0 =	sadd.s32 $0xC00, s16;
	s2 =	simm.s32 $0x6540  }
0x15a: {  	[hbm4b:s0+s3] =	stream.linear.scatter [tilespmem:s2], [sflag:$0x1], $0x1000, $0x38;
	[tilespmem:$0x8608] =	vst v63  }
0x15b: {  	s0 =	sadd.s32 $0xE00, s16;
	s2 =	simm.s32 $0x75C0  }
0x15c: {  	[hbm4b:s0+s3] =	stream.linear.scatter [tilespmem:s2], [sflag:$0x1], $0x1000, $0x38;
	[tilespmem:$0x8608] =	vst v63  }
0x15d: {  	s2 =	simm.s32 $0x238  }
0x15e: {  	[hbm4b:s17+s3] =	stream.linear.scatter [tilespmem:s2], [sflag:$0x1], $0x1000, $0x38;
	[tilespmem:$0x8608] =	vst v63  }
0x15f: {  	s0 =	sadd.s32 $0x200, s17;
	s2 =	simm.s32 $0x12B8  }
0x160: {  	[hbm4b:s0+s3] =	stream.linear.scatter [tilespmem:s2], [sflag:$0x1], $0x1000, $0x38;
	[tilespmem:$0x8608] =	vst v63  }
0x161: {  	s0 =	sadd.s32 $0x400, s17;
	s2 =	simm.s32 $0x2338  }
0x162: {  	[hbm4b:s0+s3] =	stream.linear.scatter [tilespmem:s2], [sflag:$0x1], $0x1000, $0x38;
	[tilespmem:$0x8608] =	vst v63  }
0x163: {  	s0 =	sadd.s32 $0x600, s17;
	s2 =	simm.s32 $0x33B8  }
0x164: {  	[hbm4b:s0+s3] =	stream.linear.scatter [tilespmem:s2], [sflag:$0x1], $0x1000, $0x38;
	[tilespmem:$0x8608] =	vst v63  }
0x165: {  	s0 =	sadd.s32 $0x800, s17;
	s2 =	simm.s32 $0x4438  }
0x166: {  	[hbm4b:s0+s3] =	stream.linear.scatter [tilespmem:s2], [sflag:$0x1], $0x1000, $0x38;
	[tilespmem:$0x8608] =	vst v63  }
0x167: {  	s0 =	sadd.s32 $0xA00, s17;
	s2 =	simm.s32 $0x54B8  }
0x168: {  	[hbm4b:s0+s3] =	stream.linear.scatter [tilespmem:s2], [sflag:$0x1], $0x1000, $0x38;
	[tilespmem:$0x8608] =	vst v63  }
0x169: {  	s0 =	sadd.s32 $0xC00, s17;
	s2 =	simm.s32 $0x6538  }
0x16a: {  	[hbm4b:s0+s3] =	stream.linear.scatter [tilespmem:s2], [sflag:$0x1], $0x1000, $0x38;
	[tilespmem:$0x8608] =	vst v63  }
0x16b: {  	s0 =	sadd.s32 $0xE00, s17;
	s2 =	simm.s32 $0x75B8  }
0x16c: {  	[hbm4b:s0+s3] =	stream.linear.scatter [tilespmem:s2], [sflag:$0x1], $0x1000, $0x38;
	[tilespmem:$0x8608] =	vst v63  }
0x16d: {  	s2 =	simm.s32 $0x230  }
0x16e: {  	[hbm4b:s18+s3] =	stream.linear.scatter [tilespmem:s2], [sflag:$0x1], $0x1000, $0x38;
	[tilespmem:$0x8608] =	vst v63  }
0x16f: {  	s0 =	sadd.s32 $0x200, s18;
	s2 =	simm.s32 $0x12B0  }
0x170: {  	[hbm4b:s0+s3] =	stream.linear.scatter [tilespmem:s2], [sflag:$0x1], $0x1000, $0x38;
	[tilespmem:$0x8608] =	vst v63  }
0x171: {  	s0 =	sadd.s32 $0x400, s18;
	s2 =	simm.s32 $0x2330  }
0x172: {  	[hbm4b:s0+s3] =	stream.linear.scatter [tilespmem:s2], [sflag:$0x1], $0x1000, $0x38;
	[tilespmem:$0x8608] =	vst v63  }
0x173: {  	s0 =	sadd.s32 $0x600, s18;
	s2 =	simm.s32 $0x33B0  }
0x174: {  	[hbm4b:s0+s3] =	stream.linear.scatter [tilespmem:s2], [sflag:$0x1], $0x1000, $0x38;
	[tilespmem:$0x8608] =	vst v63  }
0x175: {  	s0 =	sadd.s32 $0x800, s18;
	s2 =	simm.s32 $0x4430  }
0x176: {  	[hbm4b:s0+s3] =	stream.linear.scatter [tilespmem:s2], [sflag:$0x1], $0x1000, $0x38;
	[tilespmem:$0x8608] =	vst v63  }
0x177: {  	s0 =	sadd.s32 $0xA00, s18;
	s2 =	simm.s32 $0x54B0  }
0x178: {  	[hbm4b:s0+s3] =	stream.linear.scatter [tilespmem:s2], [sflag:$0x1], $0x1000, $0x38;
	[tilespmem:$0x8608] =	vst v63  }
0x179: {  	s0 =	sadd.s32 $0xC00, s18;
	s2 =	simm.s32 $0x6530  }
0x17a: {  	[hbm4b:s0+s3] =	stream.linear.scatter [tilespmem:s2], [sflag:$0x1], $0x1000, $0x38;
	[tilespmem:$0x8608] =	vst v63  }
0x17b: {  	s0 =	sadd.s32 $0xE00, s18;
	s2 =	simm.s32 $0x75B0  }
0x17c: {  	[hbm4b:s0+s3] =	stream.linear.scatter [tilespmem:s2], [sflag:$0x1], $0x1000, $0x38;
	[tilespmem:$0x8608] =	vst v63  }
0x17d: {  	s2 =	simm.s32 $0x228  }
0x17e: {  	[hbm4b:s5+s3] =	stream.linear.scatter [tilespmem:s2], [sflag:$0x1], $0x1000, $0x38;
	[tilespmem:$0x8608] =	vst v63  }
0x17f: {  	s0 =	sadd.s32 $0x200, s5;
	s2 =	simm.s32 $0x12A8  }
0x180: {  	[hbm4b:s0+s3] =	stream.linear.scatter [tilespmem:s2], [sflag:$0x1], $0x1000, $0x38;
	[tilespmem:$0x8608] =	vst v63  }
0x181: {  	s0 =	sadd.s32 $0x400, s5;
	s2 =	simm.s32 $0x2328  }
0x182: {  	[hbm4b:s0+s3] =	stream.linear.scatter [tilespmem:s2], [sflag:$0x1], $0x1000, $0x38;
	[tilespmem:$0x8608] =	vst v63  }
0x183: {  	s0 =	sadd.s32 $0x600, s5;
	s2 =	simm.s32 $0x33A8  }
0x184: {  	[hbm4b:s0+s3] =	stream.linear.scatter [tilespmem:s2], [sflag:$0x1], $0x1000, $0x38;
	[tilespmem:$0x8608] =	vst v63  }
0x185: {  	s0 =	sadd.s32 $0x800, s5;
	s2 =	simm.s32 $0x4428  }
0x186: {  	[hbm4b:s0+s3] =	stream.linear.scatter [tilespmem:s2], [sflag:$0x1], $0x1000, $0x38;
	[tilespmem:$0x8608] =	vst v63  }
0x187: {  	s0 =	sadd.s32 $0xA00, s5;
	s2 =	simm.s32 $0x54A8  }
0x188: {  	[hbm4b:s0+s3] =	stream.linear.scatter [tilespmem:s2], [sflag:$0x1], $0x1000, $0x38;
	[tilespmem:$0x8608] =	vst v63  }
0x189: {  	s0 =	sadd.s32 $0xC00, s5;
	s2 =	simm.s32 $0x6528  }
0x18a: {  	[hbm4b:s0+s3] =	stream.linear.scatter [tilespmem:s2], [sflag:$0x1], $0x1000, $0x38;
	[tilespmem:$0x8608] =	vst v63  }
0x18b: {  	s0 =	sadd.s32 $0xE00, s5;
	s2 =	simm.s32 $0x75A8  }
0x18c: {  	[hbm4b:s0+s3] =	stream.linear.scatter [tilespmem:s2], [sflag:$0x1], $0x1000, $0x38;
	[tilespmem:$0x8608] =	vst v63  }
0x18d: {  	s2 =	simm.s32 $0x220  }
0x18e: {  	[hbm4b:s19+s3] =	stream.linear.scatter [tilespmem:s2], [sflag:$0x1], $0x1000, $0x38;
	[tilespmem:$0x8608] =	vst v63  }
0x18f: {  	s0 =	sadd.s32 $0x200, s19;
	s2 =	simm.s32 $0x12A0  }
0x190: {  	[hbm4b:s0+s3] =	stream.linear.scatter [tilespmem:s2], [sflag:$0x1], $0x1000, $0x38;
	[tilespmem:$0x8608] =	vst v63  }
0x191: {  	s0 =	sadd.s32 $0x400, s19;
	s2 =	simm.s32 $0x2320  }
0x192: {  	[hbm4b:s0+s3] =	stream.linear.scatter [tilespmem:s2], [sflag:$0x1], $0x1000, $0x38;
	[tilespmem:$0x8608] =	vst v63  }
0x193: {  	s0 =	sadd.s32 $0x600, s19;
	s2 =	simm.s32 $0x33A0  }
0x194: {  	[hbm4b:s0+s3] =	stream.linear.scatter [tilespmem:s2], [sflag:$0x1], $0x1000, $0x38;
	[tilespmem:$0x8608] =	vst v63  }
0x195: {  	s0 =	sadd.s32 $0x800, s19;
	s2 =	simm.s32 $0x4420  }
0x196: {  	[hbm4b:s0+s3] =	stream.linear.scatter [tilespmem:s2], [sflag:$0x1], $0x1000, $0x38;
	[tilespmem:$0x8608] =	vst v63  }
0x197: {  	s0 =	sadd.s32 $0xA00, s19;
	s2 =	simm.s32 $0x54A0  }
0x198: {  	[hbm4b:s0+s3] =	stream.linear.scatter [tilespmem:s2], [sflag:$0x1], $0x1000, $0x38;
	[tilespmem:$0x8608] =	vst v63  }
0x199: {  	s0 =	sadd.s32 $0xC00, s19;
	s2 =	simm.s32 $0x6520  }
0x19a: {  	[hbm4b:s0+s3] =	stream.linear.scatter [tilespmem:s2], [sflag:$0x1], $0x1000, $0x38;
	[tilespmem:$0x8608] =	vst v63  }
0x19b: {  	s0 =	sadd.s32 $0xE00, s19;
	s2 =	simm.s32 $0x75A0  }
0x19c: {  	[hbm4b:s0+s3] =	stream.linear.scatter [tilespmem:s2], [sflag:$0x1], $0x1000, $0x38;
	[tilespmem:$0x8608] =	vst v63  }
0x19d: {  	s2 =	simm.s32 $0x218  }
0x19e: {  	[hbm4b:s6+s3] =	stream.linear.scatter [tilespmem:s2], [sflag:$0x1], $0x1000, $0x38;
	[tilespmem:$0x8608] =	vst v63  }
0x19f: {  	s0 =	sadd.s32 $0x200, s6;
	s2 =	simm.s32 $0x1298  }
0x1a0: {  	[hbm4b:s0+s3] =	stream.linear.scatter [tilespmem:s2], [sflag:$0x1], $0x1000, $0x38;
	[tilespmem:$0x8608] =	vst v63  }
0x1a1: {  	s0 =	sadd.s32 $0x400, s6;
	s2 =	simm.s32 $0x2318  }
0x1a2: {  	[hbm4b:s0+s3] =	stream.linear.scatter [tilespmem:s2], [sflag:$0x1], $0x1000, $0x38;
	[tilespmem:$0x8608] =	vst v63  }
0x1a3: {  	s0 =	sadd.s32 $0x600, s6;
	s2 =	simm.s32 $0x3398  }
0x1a4: {  	[hbm4b:s0+s3] =	stream.linear.scatter [tilespmem:s2], [sflag:$0x1], $0x1000, $0x38;
	[tilespmem:$0x8608] =	vst v63  }
0x1a5: {  	s0 =	sadd.s32 $0x800, s6;
	s2 =	simm.s32 $0x4418  }
0x1a6: {  	[hbm4b:s0+s3] =	stream.linear.scatter [tilespmem:s2], [sflag:$0x1], $0x1000, $0x38;
	[tilespmem:$0x8608] =	vst v63  }
0x1a7: {  	s0 =	sadd.s32 $0xA00, s6;
	s2 =	simm.s32 $0x5498  }
0x1a8: {  	[hbm4b:s0+s3] =	stream.linear.scatter [tilespmem:s2], [sflag:$0x1], $0x1000, $0x38;
	[tilespmem:$0x8608] =	vst v63  }
0x1a9: {  	s0 =	sadd.s32 $0xC00, s6;
	s2 =	simm.s32 $0x6518  }
0x1aa: {  	[hbm4b:s0+s3] =	stream.linear.scatter [tilespmem:s2], [sflag:$0x1], $0x1000, $0x38;
	[tilespmem:$0x8608] =	vst v63  }
0x1ab: {  	s0 =	sadd.s32 $0xE00, s6;
	s2 =	simm.s32 $0x7598  }
0x1ac: {  	[hbm4b:s0+s3] =	stream.linear.scatter [tilespmem:s2], [sflag:$0x1], $0x1000, $0x38;
	[tilespmem:$0x8608] =	vst v63  }
0x1ad: {  	s2 =	simm.s32 $0x210  }
0x1ae: {  	[hbm4b:s20+s3] =	stream.linear.scatter [tilespmem:s2], [sflag:$0x1], $0x1000, $0x38;
	[tilespmem:$0x8608] =	vst v63  }
0x1af: {  	s0 =	sadd.s32 $0x200, s20;
	s2 =	simm.s32 $0x1290  }
0x1b0: {  	[hbm4b:s0+s3] =	stream.linear.scatter [tilespmem:s2], [sflag:$0x1], $0x1000, $0x38;
	[tilespmem:$0x8608] =	vst v63  }
0x1b1: {  	s0 =	sadd.s32 $0x400, s20;
	s2 =	simm.s32 $0x2310  }
0x1b2: {  	[hbm4b:s0+s3] =	stream.linear.scatter [tilespmem:s2], [sflag:$0x1], $0x1000, $0x38;
	[tilespmem:$0x8608] =	vst v63  }
0x1b3: {  	s0 =	sadd.s32 $0x600, s20;
	s2 =	simm.s32 $0x3390  }
0x1b4: {  	[hbm4b:s0+s3] =	stream.linear.scatter [tilespmem:s2], [sflag:$0x1], $0x1000, $0x38;
	[tilespmem:$0x8608] =	vst v63  }
0x1b5: {  	s0 =	sadd.s32 $0x800, s20;
	s2 =	simm.s32 $0x4410  }
0x1b6: {  	[hbm4b:s0+s3] =	stream.linear.scatter [tilespmem:s2], [sflag:$0x1], $0x1000, $0x38;
	[tilespmem:$0x8608] =	vst v63  }
0x1b7: {  	s0 =	sadd.s32 $0xA00, s20;
	s2 =	simm.s32 $0x5490  }
0x1b8: {  	[hbm4b:s0+s3] =	stream.linear.scatter [tilespmem:s2], [sflag:$0x1], $0x1000, $0x38;
	[tilespmem:$0x8608] =	vst v63  }
0x1b9: {  	s0 =	sadd.s32 $0xC00, s20;
	s2 =	simm.s32 $0x6510  }
0x1ba: {  	[hbm4b:s0+s3] =	stream.linear.scatter [tilespmem:s2], [sflag:$0x1], $0x1000, $0x38;
	[tilespmem:$0x8608] =	vst v63  }
0x1bb: {  	s0 =	sadd.s32 $0xE00, s20;
	s2 =	simm.s32 $0x7590  }
0x1bc: {  	[hbm4b:s0+s3] =	stream.linear.scatter [tilespmem:s2], [sflag:$0x1], $0x1000, $0x38;
	[tilespmem:$0x8608] =	vst v63  }
0x1bd: {  	_ = 	snop  }
0x1be: {  	[hbm4b:s7+s3] =	stream.linear.scatter [tilespmem:s22], [sflag:$0x1], $0x1000, $0x38;
	[tilespmem:$0x8608] =	vst v63  }
0x1bf: {  	s2 =	sadd.s32 $0x200, s7  }
0x1c0: {  	[hbm4b:s2+s3] =	stream.linear.scatter [tilespmem:s1], [sflag:$0x1], $0x1000, $0x38;
	[tilespmem:$0x8608] =	vst v63  }
0x1c1: {  	s2 =	sadd.s32 $0x400, s7  }
0x1c2: {  	[hbm4b:s2+s3] =	stream.linear.scatter [tilespmem:s23], [sflag:$0x1], $0x1000, $0x38;
	[tilespmem:$0x8608] =	vst v63  }
0x1c3: {  	s2 =	sadd.s32 $0x600, s7  }
0x1c4: {  	[hbm4b:s2+s3] =	stream.linear.scatter [tilespmem:s24], [sflag:$0x1], $0x1000, $0x38;
	[tilespmem:$0x8608] =	vst v63  }
0x1c5: {  	s2 =	sadd.s32 $0x800, s7  }
0x1c6: {  	[hbm4b:s2+s3] =	stream.linear.scatter [tilespmem:s25], [sflag:$0x1], $0x1000, $0x38;
	[tilespmem:$0x8608] =	vst v63  }
0x1c7: {  	s2 =	sadd.s32 $0xA00, s7  }
0x1c8: {  	[hbm4b:s2+s3] =	stream.linear.scatter [tilespmem:s26], [sflag:$0x1], $0x1000, $0x38;
	[tilespmem:$0x8608] =	vst v63  }
0x1c9: {  	s2 =	sadd.s32 $0xC00, s7  }
0x1ca: {  	[hbm4b:s2+s3] =	stream.linear.scatter [tilespmem:s28], [sflag:$0x1], $0x1000, $0x38;
	[tilespmem:$0x8608] =	vst v63  }
0x1cb: {  	s2 =	sadd.s32 $0xE00, s7  }
0x1cc: {  	[hbm4b:s2+s3] =	stream.linear.scatter [tilespmem:s29], [sflag:$0x1], $0x1000, $0x38;
	[tilespmem:$0x8608] =	vst v63  }
0x1cd: {  	_ =	swait.ge [sflag:s30], $0x8000  }
0x1ce: {  	[sflag:s30] =	ssyncset.done $0x0  }
0x1cf: {  	[sflag:s30] =	ssyncadd.s32 $0xFFFF8000  }
0x1d0: {  	_ =	swait.ge [sflag:s30], $0x8000  }
0x1d1: {  	[sflag:s30] =	ssyncset.done $0x0  }
0x1d2: {  	[sflag:s30] =	ssyncadd.s32 $0xFFFF8000  }
0x1d3: {  	_ =	swait.ge [sflag:s30], $0x8000  }
0x1d4: {  	[sflag:s30] =	ssyncset.done $0x0  }
0x1d5: {  	[sflag:s30] =	ssyncadd.s32 $0xFFFF8000  }
0x1d6: {  	_ =	swait.ge [sflag:s30], $0x8000  }
0x1d7: {  	[sflag:s30] =	ssyncset.done $0x0  }
0x1d8: {  	[sflag:s30] =	ssyncadd.s32 $0xFFFF8000  }
0x1d9: {  	_ =	swait.ge [sflag:s30], $0x8000  }
0x1da: {  	[sflag:s30] =	ssyncset.done $0x0  }
0x1db: {  	[sflag:s30] =	ssyncadd.s32 $0xFFFF8000  }
0x1dc: {  	_ =	swait.ge [sflag:s30], $0x8000  }
0x1dd: {  	[sflag:s30] =	ssyncset.done $0x0  }
0x1de: {  	[sflag:s30] =	ssyncadd.s32 $0xFFFF8000  }
0x1df: {  	_ =	swait.ge [sflag:s30], $0x8000  }
0x1e0: {  	[sflag:s30] =	ssyncset.done $0x0  }
0x1e1: {  	[sflag:s30] =	ssyncadd.s32 $0xFFFF8000  }
0x1e2: {  	_ =	swait.ge [sflag:s30], $0x8000  }
0x1e3: {  	[sflag:s30] =	ssyncset.done $0x0  }
0x1e4: {  	[sflag:s30] =	ssyncadd.s32 $0xFFFF8000  }
0x1e5: {  	_ =	swait.ge [sflag:s30], $0x8000  }
0x1e6: {  	[sflag:s30] =	ssyncset.done $0x0  }
0x1e7: {  	[sflag:s30] =	ssyncadd.s32 $0xFFFF8000  }
0x1e8: {  	_ =	swait.ge [sflag:s30], $0x8000  }
0x1e9: {  	[sflag:s30] =	ssyncset.done $0x0  }
0x1ea: {  	[sflag:s30] =	ssyncadd.s32 $0xFFFF8000  }
0x1eb: {  	_ =	swait.ge [sflag:s30], $0x8000  }
0x1ec: {  	[sflag:s30] =	ssyncset.done $0x0  }
0x1ed: {  	[sflag:s30] =	ssyncadd.s32 $0xFFFF8000  }
0x1ee: {  	_ =	swait.ge [sflag:s30], $0x8000  }
0x1ef: {  	[sflag:s30] =	ssyncset.done $0x0  }
0x1f0: {  	[sflag:s30] =	ssyncadd.s32 $0xFFFF8000  }
0x1f1: {  	_ =	swait.ge [sflag:s30], $0x8000  }
0x1f2: {  	[sflag:s30] =	ssyncset.done $0x0  }
0x1f3: {  	[sflag:s30] =	ssyncadd.s32 $0xFFFF8000  }
0x1f4: {  	_ =	swait.ge [sflag:s30], $0x8000  }
0x1f5: {  	[sflag:s30] =	ssyncset.done $0x0  }
0x1f6: {  	s31 =	sadd.s32 $0x1, s31;
	[sflag:s30] =	ssyncadd.s32 $0xFFFF8000  }
0x1f7: {  	p0 =	sne.s32 s31, s8;
	_ =	swait.ge [sflag:s30], $0x8000  }
.Ltmp1:
0x1f8: {  	[sflag:s30] =	ssyncset.done $0x0;
	(pc) =	sbr.rel @p0 .LBB2_1-.Ltmp1, $4  }
0x1f9: {  	[sflag:s30] =	ssyncadd.s32 $0xFFFF8000  }
0x1fa: {  	_ =	swait.ge [sflag:s30], $0x8000  }
0x1fb: {  	[sflag:s30] =	ssyncset.done $0x0  }
0x1fc: {  	[sflag:s30] =	ssyncadd.s32 $0xFFFF8000  }
0x1fd: {  	_ =	sfence.sel $0x180000  }
0x1fe: {  	[bflag:$0x0] =	sbarrier.arrive $0xFFFF  }
0x1ff: {  	_ =	strace $0x90000047  }
0x200: {  	s0 =	stileid.u32;
	[bflag:$0x2] =	sbarrier.arrive $0xFFFF  }
0x201: {  	p0 =	sne.s32 s0, $0x0;
	s0 =	rddreg [dreg:$0x2]  }
0x202: {  	s0 =	sadd.s32 @!p0 $0x100000, s0  }
0x203: {  	[sflag:s0] =	ssyncadd.tile.s32 @!p0 $0x1;
	_ =	shalt  }
.Lfunc_end2:
_tile_overlayer_lowered:
.L_overlay_start_2:
0x204: {  	(tag) =	ssettag $0x2  }
0x205: {  	s0 =	rddreg [dreg:$0x0];
	s2 =	stileid.u32  }
0x206: {  	s1 =	rddreg [dreg:$0x1];
	p0 =	sne.s32 s2, $0x0  }
0x207: {  	s3 =	rddreg [dreg:$0x2];
	[bflag:$0x3] =	sbarrier.arrive $0xFFFF;
	s2 =	simm.s32 @!p0 $0x1C02  }
0x208: {  	[timem:s3], [sflag:s2] =	dma.local @!p0 [hbm:s0], s1  }
0x209: {  	s0 =	simm.s32 @!p0 $0x2  }
0x20a: {  	_ =	swait.ge @!p0 [sflag:s0], s1  }
0x20b: {  	s1 =	ssub.s32 @!p0 $0x0, s1;
	[sflag:s0] =	ssyncset.done @!p0 $0x0  }
0x20c: {  	[sflag:s0] =	ssyncadd.s32 @!p0 s1  }
0x20d: {  	[bflag:$0x3] =	sbarrier.arrive $0xFFFF  }
0x20e: {  	_ =	shalt  }

</sc_bundles>
